<compile_context>
chip_gen: v7x
topology: tpu7x:2x2x1
jax: 0.10.2.dev20260603
libtpu: 0.0.44.dev20260713+nightly
codegen_flags: <defaults>
</compile_context>

<pallas_src>
import functools

import jax
import jax.numpy as jnp
from jax import lax
from jax.experimental import pallas as pl
from jax.experimental.pallas import tpu as pltpu
from jax.experimental.pallas import tpu_sc as plsc

EMBED_DIM = 1024
NUM_CORES = 2
NUM_SUBCORES = 16
NUM_WORKERS = NUM_CORES * NUM_SUBCORES
LANES = 16
DRAIN_ROWS = 64


@functools.partial(jax.jit, static_argnames=("rows", "vocab"))
def _sc_embedding_lookup(table, idx, *, rows, vocab):
    rows_per_worker = rows // NUM_WORKERS
    n_drains = rows_per_worker // DRAIN_ROWS
    mesh = plsc.VectorSubcoreMesh(
        core_axis_name="c", subcore_axis_name="s", num_cores=NUM_CORES
    )

    @functools.partial(
        pl.kernel,
        out_type=jax.ShapeDtypeStruct((rows, EMBED_DIM), jnp.float32),
        mesh=mesh,
        scratch_types=[
            pltpu.VMEM((rows_per_worker,), jnp.int32),
            pltpu.VMEM((vocab, EMBED_DIM), jnp.float32),
            pltpu.VMEM((DRAIN_ROWS, EMBED_DIM), jnp.float32),
            pltpu.SemaphoreType.DMA,
        ],
    )
    def body(table_hbm, idx_hbm, out_hbm, idx_v, tab_v, drain_v, sem):
        wid = lax.axis_index("s") * NUM_CORES + lax.axis_index("c")
        base = wid * rows_per_worker
        pltpu.sync_copy(table_hbm, tab_v)
        pltpu.sync_copy(idx_hbm.at[pl.ds(base, rows_per_worker)], idx_v)
        @pl.loop(0, rows_per_worker // LANES)
        def _fire(vg):
            vec = idx_v[pl.ds(vg * LANES, LANES)]
            for l in range(LANES):
                i = vec[l]
                pltpu.async_copy(
                    tab_v.at[pl.ds(i, 1)],
                    out_hbm.at[pl.ds(base + vg * LANES + l, 1)],
                    sem,
                )

        @pl.loop(0, n_drains)
        def _drain(_):
            pltpu.make_async_copy(
                out_hbm.at[pl.ds(base, DRAIN_ROWS)], drain_v, sem
            ).wait()

    return body(table, idx)


def kernel(x, table):
    b, s = x.shape
    rows = b * s
    idx = x.reshape(rows).astype(jnp.int32)
    out = _sc_embedding_lookup(table, idx, rows=rows, vocab=table.shape[0])
    return out.reshape(b, s, EMBED_DIM)

# --- scband reference (transcript-rebuilt; emitter-appended) ---
"""Pipeline reference for scband-segment-embedding-29360396435978 (READ-ONLY COPY).

The authoritative reference and input builder live on the scoring server;
editing this copy changes nothing except your own understanding.
"""

import jax, jax.numpy as jnp
import numpy as np

EMBED_DIM = 1024

def setup_inputs(seed: int = 0) -> dict:
    key = jax.random.key(seed)
    k_idx, k_tab = jax.random.split(key)
    x = jax.random.randint(k_idx, (4, 8192), 0, 3, dtype=jnp.int64)
    # nn.Embedding default init: N(0, 1)
    table = jax.random.normal(k_tab, (3, EMBED_DIM), dtype=jnp.float32)
    return {"x": x, "table": table}

def reference(x, table):
    # SegmentEmbedding.forward: self.embed(x)
    return jnp.take(table, x, axis=0)

if __name__ == "__main__":
    import jax
    _d = setup_inputs()
    print(jax.jit(kernel)(*tuple(_d.values())))

</pallas_src>

<mosaic_0001>
#map = affine_map<(d0, d1) -> (0, 0)>
#map1 = affine_map<(d0, d1) -> (0)>
module attributes {stable_mosaic.version = 14 : i64} {
  func.func @body(%arg0: i32, %arg1: i32, %arg2: memref<3x1024xf32, #tpu.memory_space<hbm>>, %arg3: memref<32768xi32, #tpu.memory_space<hbm>>, %arg4: memref<32768x1024xf32, #tpu.memory_space<hbm>>, %arg5: memref<1024xi32, #tpu.memory_space<vmem>>, %arg6: memref<3x1024xf32, #tpu.memory_space<vmem>>, %arg7: memref<64x1024xf32, #tpu.memory_space<vmem>>, %arg8: memref<!tpu.dma_semaphore, #tpu.memory_space<semaphore_mem>>) attributes {dimension_semantics = [#tpu.dimension_semantics<core_parallel>, #tpu.dimension_semantics<subcore_parallel>], iteration_bounds = array<i64: 2, 16>, scalar_prefetch = 0 : i64, scratch_operands = 4 : i64, tpu.core_type = #tpu.core_type<sc_vector_subcore>, window_params = [{transform_indices = #map}, {transform_indices = #map1}, {transform_indices = #map}]} {
    %mul3A = arith.constant 2 : i32
    %mul3A_0 = arith.muli %arg1, %mul3A : i32
    %add3A = arith.addi %mul3A_0, %arg0 : i32
    %mul3A_1 = arith.constant 1024 : i32
    %mul3A_2 = arith.muli %add3A, %mul3A_1 : i32
    "tpu.region"() ({
      %run_scoped3A = tpu.sem_alloc : memref<!tpu.dma_semaphore, #tpu.memory_space<semaphore_mem>>
      tpu.enqueue_dma source(%arg2 : memref<3x1024xf32, #tpu.memory_space<hbm>>) target(%arg6 : memref<3x1024xf32, #tpu.memory_space<vmem>>) target_semaphore(%run_scoped3A : memref<!tpu.dma_semaphore, #tpu.memory_space<semaphore_mem>>)
      tpu.wait_dma2 semaphore(%run_scoped3A : memref<!tpu.dma_semaphore, #tpu.memory_space<semaphore_mem>>) src(%arg2 : memref<3x1024xf32, #tpu.memory_space<hbm>>) dst(%arg6 : memref<3x1024xf32, #tpu.memory_space<vmem>>)
      tpu.yield
    }) : () -> ()
    "tpu.region"() ({
      %run_scoped3A = tpu.sem_alloc : memref<!tpu.dma_semaphore, #tpu.memory_space<semaphore_mem>>
      %dma_start3A = tpu.memref_slice %arg3[%mul3A_2] : memref<32768xi32, #tpu.memory_space<hbm>> -> memref<1024xi32, #tpu.memory_space<hbm>>
      %dma_start3A_12 = tpu.memref_slice %arg3[%mul3A_2] : memref<32768xi32, #tpu.memory_space<hbm>> -> memref<1024xi32, #tpu.memory_space<hbm>>
      tpu.enqueue_dma source(%dma_start3A_12 : memref<1024xi32, #tpu.memory_space<hbm>>) target(%arg5 : memref<1024xi32, #tpu.memory_space<vmem>>) target_semaphore(%run_scoped3A : memref<!tpu.dma_semaphore, #tpu.memory_space<semaphore_mem>>)
      %dma_wait3A = tpu.memref_slice %arg3[%mul3A_2] : memref<32768xi32, #tpu.memory_space<hbm>> -> memref<1024xi32, #tpu.memory_space<hbm>>
      %dma_wait3A_13 = tpu.memref_slice %arg3[%mul3A_2] : memref<32768xi32, #tpu.memory_space<hbm>> -> memref<1024xi32, #tpu.memory_space<hbm>>
      tpu.wait_dma2 semaphore(%run_scoped3A : memref<!tpu.dma_semaphore, #tpu.memory_space<semaphore_mem>>) src(%dma_wait3A_13 : memref<1024xi32, #tpu.memory_space<hbm>>) dst(%arg5 : memref<1024xi32, #tpu.memory_space<vmem>>)
      tpu.yield
    }) : () -> ()
    %scan3A = arith.constant 0 : i32
    %scan3A_3 = arith.constant 64 : i32
    %scan3A_4 = arith.addi %scan3A, %scan3A_3 : i32
    %scan3A_5 = arith.constant 1 : i32
    scf.for %scan3A_12 = %scan3A to %scan3A_4 step %scan3A_5  : i32 {
      %mul3A_13 = arith.constant 1 : i32
      %mul3A_14 = arith.muli %scan3A_12, %mul3A_13 : i32
      %add3A_15 = arith.constant 0 : i32
      %add3A_16 = arith.addi %add3A_15, %mul3A_14 : i32
      %mul3A_17 = arith.constant 16 : i32
      %mul3A_18 = arith.muli %add3A_16, %mul3A_17 : i32
      %get3A = arith.index_cast %mul3A_18 : i32 to index
      %get3A_19 = tpu.vector_load %arg5[%get3A] {strides = array<i32>} : memref<1024xi32, #tpu.memory_space<vmem>>, vector<16xi32>,
      %get3A_20 = vector.shape_cast %get3A_19 : vector<16xi32> to vector<16xi32>
      %slice3A = vector.extract_strided_slice %get3A_20 {offsets = [0], sizes = [1], strides = [1]} : vector<16xi32> to vector<1xi32>
      %squeeze3A = vector.extract %slice3A[0] : i32 from vector<1xi32>
      %mul3A_21 = arith.constant 16 : i32
      %mul3A_22 = arith.muli %add3A_16, %mul3A_21 : i32
      %add3A_23 = arith.addi %mul3A_2, %mul3A_22 : i32
      %add3A_24 = arith.constant 0 : i32
      %add3A_25 = arith.addi %add3A_23, %add3A_24 : i32
      %dma_start3A = arith.constant 0 : i32
      %dma_start3A_26 = tpu.memref_slice %arg6[%squeeze3A, %dma_start3A] : memref<3x1024xf32, #tpu.memory_space<vmem>> -> memref<1x1024xf32, #tpu.memory_space<vmem>>
      %dma_start3A_27 = arith.constant 0 : i32
      %dma_start3A_28 = tpu.memref_slice %arg4[%add3A_25, %dma_start3A_27] : memref<32768x1024xf32, #tpu.memory_space<hbm>> -> memref<1x1024xf32, #tpu.memory_space<hbm>>
      %dma_start3A_29 = arith.constant 0 : i32
      %dma_start3A_30 = tpu.memref_slice %arg4[%add3A_25, %dma_start3A_29] : memref<32768x1024xf32, #tpu.memory_space<hbm>> -> memref<1x1024xf32, #tpu.memory_space<hbm>>
      %dma_start3A_31 = arith.constant 0 : i32
      %dma_start3A_32 = tpu.memref_slice %arg6[%squeeze3A, %dma_start3A_31] : memref<3x1024xf32, #tpu.memory_space<vmem>> -> memref<1x1024xf32, #tpu.memory_space<vmem>>
      tpu.enqueue_dma source(%dma_start3A_32 : memref<1x1024xf32, #tpu.memory_space<vmem>>) target(%dma_start3A_30 : memref<1x1024xf32, #tpu.memory_space<hbm>>) target_semaphore(%arg8 : memref<!tpu.dma_semaphore, #tpu.memory_space<semaphore_mem>>)
      %slice3A_33 = vector.extract_strided_slice %get3A_20 {offsets = [1], sizes = [1], strides = [1]} : vector<16xi32> to vector<1xi32>
      %squeeze3A_34 = vector.extract %slice3A_33[0] : i32 from vector<1xi32>
      %mul3A_35 = arith.constant 16 : i32
      %mul3A_36 = arith.muli %add3A_16, %mul3A_35 : i32
      %add3A_37 = arith.addi %mul3A_2, %mul3A_36 : i32
      %add3A_38 = arith.constant 1 : i32
      %add3A_39 = arith.addi %add3A_37, %add3A_38 : i32
      %dma_start3A_40 = arith.constant 0 : i32
      %dma_start3A_41 = tpu.memref_slice %arg6[%squeeze3A_34, %dma_start3A_40] : memref<3x1024xf32, #tpu.memory_space<vmem>> -> memref<1x1024xf32, #tpu.memory_space<vmem>>
      %dma_start3A_42 = arith.constant 0 : i32
      %dma_start3A_43 = tpu.memref_slice %arg4[%add3A_39, %dma_start3A_42] : memref<32768x1024xf32, #tpu.memory_space<hbm>> -> memref<1x1024xf32, #tpu.memory_space<hbm>>
      %dma_start3A_44 = arith.constant 0 : i32
      %dma_start3A_45 = tpu.memref_slice %arg4[%add3A_39, %dma_start3A_44] : memref<32768x1024xf32, #tpu.memory_space<hbm>> -> memref<1x1024xf32, #tpu.memory_space<hbm>>
      %dma_start3A_46 = arith.constant 0 : i32
      %dma_start3A_47 = tpu.memref_slice %arg6[%squeeze3A_34, %dma_start3A_46] : memref<3x1024xf32, #tpu.memory_space<vmem>> -> memref<1x1024xf32, #tpu.memory_space<vmem>>
      tpu.enqueue_dma source(%dma_start3A_47 : memref<1x1024xf32, #tpu.memory_space<vmem>>) target(%dma_start3A_45 : memref<1x1024xf32, #tpu.memory_space<hbm>>) target_semaphore(%arg8 : memref<!tpu.dma_semaphore, #tpu.memory_space<semaphore_mem>>)
      %slice3A_48 = vector.extract_strided_slice %get3A_20 {offsets = [2], sizes = [1], strides = [1]} : vector<16xi32> to vector<1xi32>
      %squeeze3A_49 = vector.extract %slice3A_48[0] : i32 from vector<1xi32>
      %mul3A_50 = arith.constant 16 : i32
      %mul3A_51 = arith.muli %add3A_16, %mul3A_50 : i32
      %add3A_52 = arith.addi %mul3A_2, %mul3A_51 : i32
      %add3A_53 = arith.constant 2 : i32
      %add3A_54 = arith.addi %add3A_52, %add3A_53 : i32
      %dma_start3A_55 = arith.constant 0 : i32
      %dma_start3A_56 = tpu.memref_slice %arg6[%squeeze3A_49, %dma_start3A_55] : memref<3x1024xf32, #tpu.memory_space<vmem>> -> memref<1x1024xf32, #tpu.memory_space<vmem>>
      %dma_start3A_57 = arith.constant 0 : i32
      %dma_start3A_58 = tpu.memref_slice %arg4[%add3A_54, %dma_start3A_57] : memref<32768x1024xf32, #tpu.memory_space<hbm>> -> memref<1x1024xf32, #tpu.memory_space<hbm>>
      %dma_start3A_59 = arith.constant 0 : i32
      %dma_start3A_60 = tpu.memref_slice %arg4[%add3A_54, %dma_start3A_59] : memref<32768x1024xf32, #tpu.memory_space<hbm>> -> memref<1x1024xf32, #tpu.memory_space<hbm>>
      %dma_start3A_61 = arith.constant 0 : i32
      %dma_start3A_62 = tpu.memref_slice %arg6[%squeeze3A_49, %dma_start3A_61] : memref<3x1024xf32, #tpu.memory_space<vmem>> -> memref<1x1024xf32, #tpu.memory_space<vmem>>
      tpu.enqueue_dma source(%dma_start3A_62 : memref<1x1024xf32, #tpu.memory_space<vmem>>) target(%dma_start3A_60 : memref<1x1024xf32, #tpu.memory_space<hbm>>) target_semaphore(%arg8 : memref<!tpu.dma_semaphore, #tpu.memory_space<semaphore_mem>>)
      %slice3A_63 = vector.extract_strided_slice %get3A_20 {offsets = [3], sizes = [1], strides = [1]} : vector<16xi32> to vector<1xi32>
      %squeeze3A_64 = vector.extract %slice3A_63[0] : i32 from vector<1xi32>
      %mul3A_65 = arith.constant 16 : i32
      %mul3A_66 = arith.muli %add3A_16, %mul3A_65 : i32
      %add3A_67 = arith.addi %mul3A_2, %mul3A_66 : i32
      %add3A_68 = arith.constant 3 : i32
      %add3A_69 = arith.addi %add3A_67, %add3A_68 : i32
      %dma_start3A_70 = arith.constant 0 : i32
      %dma_start3A_71 = tpu.memref_slice %arg6[%squeeze3A_64, %dma_start3A_70] : memref<3x1024xf32, #tpu.memory_space<vmem>> -> memref<1x1024xf32, #tpu.memory_space<vmem>>
      %dma_start3A_72 = arith.constant 0 : i32
      %dma_start3A_73 = tpu.memref_slice %arg4[%add3A_69, %dma_start3A_72] : memref<32768x1024xf32, #tpu.memory_space<hbm>> -> memref<1x1024xf32, #tpu.memory_space<hbm>>
      %dma_start3A_74 = arith.constant 0 : i32
      %dma_start3A_75 = tpu.memref_slice %arg4[%add3A_69, %dma_start3A_74] : memref<32768x1024xf32, #tpu.memory_space<hbm>> -> memref<1x1024xf32, #tpu.memory_space<hbm>>
      %dma_start3A_76 = arith.constant 0 : i32
      %dma_start3A_77 = tpu.memref_slice %arg6[%squeeze3A_64, %dma_start3A_76] : memref<3x1024xf32, #tpu.memory_space<vmem>> -> memref<1x1024xf32, #tpu.memory_space<vmem>>
      tpu.enqueue_dma source(%dma_start3A_77 : memref<1x1024xf32, #tpu.memory_space<vmem>>) target(%dma_start3A_75 : memref<1x1024xf32, #tpu.memory_space<hbm>>) target_semaphore(%arg8 : memref<!tpu.dma_semaphore, #tpu.memory_space<semaphore_mem>>)
      %slice3A_78 = vector.extract_strided_slice %get3A_20 {offsets = [4], sizes = [1], strides = [1]} : vector<16xi32> to vector<1xi32>
      %squeeze3A_79 = vector.extract %slice3A_78[0] : i32 from vector<1xi32>
      %mul3A_80 = arith.constant 16 : i32
      %mul3A_81 = arith.muli %add3A_16, %mul3A_80 : i32
      %add3A_82 = arith.addi %mul3A_2, %mul3A_81 : i32
      %add3A_83 = arith.constant 4 : i32
      %add3A_84 = arith.addi %add3A_82, %add3A_83 : i32
      %dma_start3A_85 = arith.constant 0 : i32
      %dma_start3A_86 = tpu.memref_slice %arg6[%squeeze3A_79, %dma_start3A_85] : memref<3x1024xf32, #tpu.memory_space<vmem>> -> memref<1x1024xf32, #tpu.memory_space<vmem>>
      %dma_start3A_87 = arith.constant 0 : i32
      %dma_start3A_88 = tpu.memref_slice %arg4[%add3A_84, %dma_start3A_87] : memref<32768x1024xf32, #tpu.memory_space<hbm>> -> memref<1x1024xf32, #tpu.memory_space<hbm>>
      %dma_start3A_89 = arith.constant 0 : i32
      %dma_start3A_90 = tpu.memref_slice %arg4[%add3A_84, %dma_start3A_89] : memref<32768x1024xf32, #tpu.memory_space<hbm>> -> memref<1x1024xf32, #tpu.memory_space<hbm>>
      %dma_start3A_91 = arith.constant 0 : i32
      %dma_start3A_92 = tpu.memref_slice %arg6[%squeeze3A_79, %dma_start3A_91] : memref<3x1024xf32, #tpu.memory_space<vmem>> -> memref<1x1024xf32, #tpu.memory_space<vmem>>
      tpu.enqueue_dma source(%dma_start3A_92 : memref<1x1024xf32, #tpu.memory_space<vmem>>) target(%dma_start3A_90 : memref<1x1024xf32, #tpu.memory_space<hbm>>) target_semaphore(%arg8 : memref<!tpu.dma_semaphore, #tpu.memory_space<semaphore_mem>>)
      %slice3A_93 = vector.extract_strided_slice %get3A_20 {offsets = [5], sizes = [1], strides = [1]} : vector<16xi32> to vector<1xi32>
      %squeeze3A_94 = vector.extract %slice3A_93[0] : i32 from vector<1xi32>
      %mul3A_95 = arith.constant 16 : i32
      %mul3A_96 = arith.muli %add3A_16, %mul3A_95 : i32
      %add3A_97 = arith.addi %mul3A_2, %mul3A_96 : i32
      %add3A_98 = arith.constant 5 : i32
      %add3A_99 = arith.addi %add3A_97, %add3A_98 : i32
      %dma_start3A_100 = arith.constant 0 : i32
      %dma_start3A_101 = tpu.memref_slice %arg6[%squeeze3A_94, %dma_start3A_100] : memref<3x1024xf32, #tpu.memory_space<vmem>> -> memref<1x1024xf32, #tpu.memory_space<vmem>>
      %dma_start3A_102 = arith.constant 0 : i32
      %dma_start3A_103 = tpu.memref_slice %arg4[%add3A_99, %dma_start3A_102] : memref<32768x1024xf32, #tpu.memory_space<hbm>> -> memref<1x1024xf32, #tpu.memory_space<hbm>>
      %dma_start3A_104 = arith.constant 0 : i32
      %dma_start3A_105 = tpu.memref_slice %arg4[%add3A_99, %dma_start3A_104] : memref<32768x1024xf32, #tpu.memory_space<hbm>> -> memref<1x1024xf32, #tpu.memory_space<hbm>>
      %dma_start3A_106 = arith.constant 0 : i32
      %dma_start3A_107 = tpu.memref_slice %arg6[%squeeze3A_94, %dma_start3A_106] : memref<3x1024xf32, #tpu.memory_space<vmem>> -> memref<1x1024xf32, #tpu.memory_space<vmem>>
      tpu.enqueue_dma source(%dma_start3A_107 : memref<1x1024xf32, #tpu.memory_space<vmem>>) target(%dma_start3A_105 : memref<1x1024xf32, #tpu.memory_space<hbm>>) target_semaphore(%arg8 : memref<!tpu.dma_semaphore, #tpu.memory_space<semaphore_mem>>)
      %slice3A_108 = vector.extract_strided_slice %get3A_20 {offsets = [6], sizes = [1], strides = [1]} : vector<16xi32> to vector<1xi32>
      %squeeze3A_109 = vector.extract %slice3A_108[0] : i32 from vector<1xi32>
      %mul3A_110 = arith.constant 16 : i32
      %mul3A_111 = arith.muli %add3A_16, %mul3A_110 : i32
      %add3A_112 = arith.addi %mul3A_2, %mul3A_111 : i32
      %add3A_113 = arith.constant 6 : i32
      %add3A_114 = arith.addi %add3A_112, %add3A_113 : i32
      %dma_start3A_115 = arith.constant 0 : i32
      %dma_start3A_116 = tpu.memref_slice %arg6[%squeeze3A_109, %dma_start3A_115] : memref<3x1024xf32, #tpu.memory_space<vmem>> -> memref<1x1024xf32, #tpu.memory_space<vmem>>
      %dma_start3A_117 = arith.constant 0 : i32
      %dma_start3A_118 = tpu.memref_slice %arg4[%add3A_114, %dma_start3A_117] : memref<32768x1024xf32, #tpu.memory_space<hbm>> -> memref<1x1024xf32, #tpu.memory_space<hbm>>
      %dma_start3A_119 = arith.constant 0 : i32
      %dma_start3A_120 = tpu.memref_slice %arg4[%add3A_114, %dma_start3A_119] : memref<32768x1024xf32, #tpu.memory_space<hbm>> -> memref<1x1024xf32, #tpu.memory_space<hbm>>
      %dma_start3A_121 = arith.constant 0 : i32
      %dma_start3A_122 = tpu.memref_slice %arg6[%squeeze3A_109, %dma_start3A_121] : memref<3x1024xf32, #tpu.memory_space<vmem>> -> memref<1x1024xf32, #tpu.memory_space<vmem>>
      tpu.enqueue_dma source(%dma_start3A_122 : memref<1x1024xf32, #tpu.memory_space<vmem>>) target(%dma_start3A_120 : memref<1x1024xf32, #tpu.memory_space<hbm>>) target_semaphore(%arg8 : memref<!tpu.dma_semaphore, #tpu.memory_space<semaphore_mem>>)
      %slice3A_123 = vector.extract_strided_slice %get3A_20 {offsets = [7], sizes = [1], strides = [1]} : vector<16xi32> to vector<1xi32>
      %squeeze3A_124 = vector.extract %slice3A_123[0] : i32 from vector<1xi32>
      %mul3A_125 = arith.constant 16 : i32
      %mul3A_126 = arith.muli %add3A_16, %mul3A_125 : i32
      %add3A_127 = arith.addi %mul3A_2, %mul3A_126 : i32
      %add3A_128 = arith.constant 7 : i32
      %add3A_129 = arith.addi %add3A_127, %add3A_128 : i32
      %dma_start3A_130 = arith.constant 0 : i32
      %dma_start3A_131 = tpu.memref_slice %arg6[%squeeze3A_124, %dma_start3A_130] : memref<3x1024xf32, #tpu.memory_space<vmem>> -> memref<1x1024xf32, #tpu.memory_space<vmem>>
      %dma_start3A_132 = arith.constant 0 : i32
      %dma_start3A_133 = tpu.memref_slice %arg4[%add3A_129, %dma_start3A_132] : memref<32768x1024xf32, #tpu.memory_space<hbm>> -> memref<1x1024xf32, #tpu.memory_space<hbm>>
      %dma_start3A_134 = arith.constant 0 : i32
      %dma_start3A_135 = tpu.memref_slice %arg4[%add3A_129, %dma_start3A_134] : memref<32768x1024xf32, #tpu.memory_space<hbm>> -> memref<1x1024xf32, #tpu.memory_space<hbm>>
      %dma_start3A_136 = arith.constant 0 : i32
      %dma_start3A_137 = tpu.memref_slice %arg6[%squeeze3A_124, %dma_start3A_136] : memref<3x1024xf32, #tpu.memory_space<vmem>> -> memref<1x1024xf32, #tpu.memory_space<vmem>>
      tpu.enqueue_dma source(%dma_start3A_137 : memref<1x1024xf32, #tpu.memory_space<vmem>>) target(%dma_start3A_135 : memref<1x1024xf32, #tpu.memory_space<hbm>>) target_semaphore(%arg8 : memref<!tpu.dma_semaphore, #tpu.memory_space<semaphore_mem>>)
      %slice3A_138 = vector.extract_strided_slice %get3A_20 {offsets = [8], sizes = [1], strides = [1]} : vector<16xi32> to vector<1xi32>
      %squeeze3A_139 = vector.extract %slice3A_138[0] : i32 from vector<1xi32>
      %mul3A_140 = arith.constant 16 : i32
      %mul3A_141 = arith.muli %add3A_16, %mul3A_140 : i32
      %add3A_142 = arith.addi %mul3A_2, %mul3A_141 : i32
      %add3A_143 = arith.constant 8 : i32
      %add3A_144 = arith.addi %add3A_142, %add3A_143 : i32
      %dma_start3A_145 = arith.constant 0 : i32
      %dma_start3A_146 = tpu.memref_slice %arg6[%squeeze3A_139, %dma_start3A_145] : memref<3x1024xf32, #tpu.memory_space<vmem>> -> memref<1x1024xf32, #tpu.memory_space<vmem>>
      %dma_start3A_147 = arith.constant 0 : i32
      %dma_start3A_148 = tpu.memref_slice %arg4[%add3A_144, %dma_start3A_147] : memref<32768x1024xf32, #tpu.memory_space<hbm>> -> memref<1x1024xf32, #tpu.memory_space<hbm>>
      %dma_start3A_149 = arith.constant 0 : i32
      %dma_start3A_150 = tpu.memref_slice %arg4[%add3A_144, %dma_start3A_149] : memref<32768x1024xf32, #tpu.memory_space<hbm>> -> memref<1x1024xf32, #tpu.memory_space<hbm>>
      %dma_start3A_151 = arith.constant 0 : i32
      %dma_start3A_152 = tpu.memref_slice %arg6[%squeeze3A_139, %dma_start3A_151] : memref<3x1024xf32, #tpu.memory_space<vmem>> -> memref<1x1024xf32, #tpu.memory_space<vmem>>
      tpu.enqueue_dma source(%dma_start3A_152 : memref<1x1024xf32, #tpu.memory_space<vmem>>) target(%dma_start3A_150 : memref<1x1024xf32, #tpu.memory_space<hbm>>) target_semaphore(%arg8 : memref<!tpu.dma_semaphore, #tpu.memory_space<semaphore_mem>>)
      %slice3A_153 = vector.extract_strided_slice %get3A_20 {offsets = [9], sizes = [1], strides = [1]} : vector<16xi32> to vector<1xi32>
      %squeeze3A_154 = vector.extract %slice3A_153[0] : i32 from vector<1xi32>
      %mul3A_155 = arith.constant 16 : i32
      %mul3A_156 = arith.muli %add3A_16, %mul3A_155 : i32
      %add3A_157 = arith.addi %mul3A_2, %mul3A_156 : i32
      %add3A_158 = arith.constant 9 : i32
      %add3A_159 = arith.addi %add3A_157, %add3A_158 : i32
      %dma_start3A_160 = arith.constant 0 : i32
      %dma_start3A_161 = tpu.memref_slice %arg6[%squeeze3A_154, %dma_start3A_160] : memref<3x1024xf32, #tpu.memory_space<vmem>> -> memref<1x1024xf32, #tpu.memory_space<vmem>>
      %dma_start3A_162 = arith.constant 0 : i32
      %dma_start3A_163 = tpu.memref_slice %arg4[%add3A_159, %dma_start3A_162] : memref<32768x1024xf32, #tpu.memory_space<hbm>> -> memref<1x1024xf32, #tpu.memory_space<hbm>>
      %dma_start3A_164 = arith.constant 0 : i32
      %dma_start3A_165 = tpu.memref_slice %arg4[%add3A_159, %dma_start3A_164] : memref<32768x1024xf32, #tpu.memory_space<hbm>> -> memref<1x1024xf32, #tpu.memory_space<hbm>>
      %dma_start3A_166 = arith.constant 0 : i32
      %dma_start3A_167 = tpu.memref_slice %arg6[%squeeze3A_154, %dma_start3A_166] : memref<3x1024xf32, #tpu.memory_space<vmem>> -> memref<1x1024xf32, #tpu.memory_space<vmem>>
      tpu.enqueue_dma source(%dma_start3A_167 : memref<1x1024xf32, #tpu.memory_space<vmem>>) target(%dma_start3A_165 : memref<1x1024xf32, #tpu.memory_space<hbm>>) target_semaphore(%arg8 : memref<!tpu.dma_semaphore, #tpu.memory_space<semaphore_mem>>)
      %slice3A_168 = vector.extract_strided_slice %get3A_20 {offsets = [10], sizes = [1], strides = [1]} : vector<16xi32> to vector<1xi32>
      %squeeze3A_169 = vector.extract %slice3A_168[0] : i32 from vector<1xi32>
      %mul3A_170 = arith.constant 16 : i32
      %mul3A_171 = arith.muli %add3A_16, %mul3A_170 : i32
      %add3A_172 = arith.addi %mul3A_2, %mul3A_171 : i32
      %add3A_173 = arith.constant 10 : i32
      %add3A_174 = arith.addi %add3A_172, %add3A_173 : i32
      %dma_start3A_175 = arith.constant 0 : i32
      %dma_start3A_176 = tpu.memref_slice %arg6[%squeeze3A_169, %dma_start3A_175] : memref<3x1024xf32, #tpu.memory_space<vmem>> -> memref<1x1024xf32, #tpu.memory_space<vmem>>
      %dma_start3A_177 = arith.constant 0 : i32
      %dma_start3A_178 = tpu.memref_slice %arg4[%add3A_174, %dma_start3A_177] : memref<32768x1024xf32, #tpu.memory_space<hbm>> -> memref<1x1024xf32, #tpu.memory_space<hbm>>
      %dma_start3A_179 = arith.constant 0 : i32
      %dma_start3A_180 = tpu.memref_slice %arg4[%add3A_174, %dma_start3A_179] : memref<32768x1024xf32, #tpu.memory_space<hbm>> -> memref<1x1024xf32, #tpu.memory_space<hbm>>
      %dma_start3A_181 = arith.constant 0 : i32
      %dma_start3A_182 = tpu.memref_slice %arg6[%squeeze3A_169, %dma_start3A_181] : memref<3x1024xf32, #tpu.memory_space<vmem>> -> memref<1x1024xf32, #tpu.memory_space<vmem>>
      tpu.enqueue_dma source(%dma_start3A_182 : memref<1x1024xf32, #tpu.memory_space<vmem>>) target(%dma_start3A_180 : memref<1x1024xf32, #tpu.memory_space<hbm>>) target_semaphore(%arg8 : memref<!tpu.dma_semaphore, #tpu.memory_space<semaphore_mem>>)
      %slice3A_183 = vector.extract_strided_slice %get3A_20 {offsets = [11], sizes = [1], strides = [1]} : vector<16xi32> to vector<1xi32>
      %squeeze3A_184 = vector.extract %slice3A_183[0] : i32 from vector<1xi32>
      %mul3A_185 = arith.constant 16 : i32
      %mul3A_186 = arith.muli %add3A_16, %mul3A_185 : i32
      %add3A_187 = arith.addi %mul3A_2, %mul3A_186 : i32
      %add3A_188 = arith.constant 11 : i32
      %add3A_189 = arith.addi %add3A_187, %add3A_188 : i32
      %dma_start3A_190 = arith.constant 0 : i32
      %dma_start3A_191 = tpu.memref_slice %arg6[%squeeze3A_184, %dma_start3A_190] : memref<3x1024xf32, #tpu.memory_space<vmem>> -> memref<1x1024xf32, #tpu.memory_space<vmem>>
      %dma_start3A_192 = arith.constant 0 : i32
      %dma_start3A_193 = tpu.memref_slice %arg4[%add3A_189, %dma_start3A_192] : memref<32768x1024xf32, #tpu.memory_space<hbm>> -> memref<1x1024xf32, #tpu.memory_space<hbm>>
      %dma_start3A_194 = arith.constant 0 : i32
      %dma_start3A_195 = tpu.memref_slice %arg4[%add3A_189, %dma_start3A_194] : memref<32768x1024xf32, #tpu.memory_space<hbm>> -> memref<1x1024xf32, #tpu.memory_space<hbm>>
      %dma_start3A_196 = arith.constant 0 : i32
      %dma_start3A_197 = tpu.memref_slice %arg6[%squeeze3A_184, %dma_start3A_196] : memref<3x1024xf32, #tpu.memory_space<vmem>> -> memref<1x1024xf32, #tpu.memory_space<vmem>>
      tpu.enqueue_dma source(%dma_start3A_197 : memref<1x1024xf32, #tpu.memory_space<vmem>>) target(%dma_start3A_195 : memref<1x1024xf32, #tpu.memory_space<hbm>>) target_semaphore(%arg8 : memref<!tpu.dma_semaphore, #tpu.memory_space<semaphore_mem>>)
      %slice3A_198 = vector.extract_strided_slice %get3A_20 {offsets = [12], sizes = [1], strides = [1]} : vector<16xi32> to vector<1xi32>
      %squeeze3A_199 = vector.extract %slice3A_198[0] : i32 from vector<1xi32>
      %mul3A_200 = arith.constant 16 : i32
      %mul3A_201 = arith.muli %add3A_16, %mul3A_200 : i32
      %add3A_202 = arith.addi %mul3A_2, %mul3A_201 : i32
      %add3A_203 = arith.constant 12 : i32
      %add3A_204 = arith.addi %add3A_202, %add3A_203 : i32
      %dma_start3A_205 = arith.constant 0 : i32
      %dma_start3A_206 = tpu.memref_slice %arg6[%squeeze3A_199, %dma_start3A_205] : memref<3x1024xf32, #tpu.memory_space<vmem>> -> memref<1x1024xf32, #tpu.memory_space<vmem>>
      %dma_start3A_207 = arith.constant 0 : i32
      %dma_start3A_208 = tpu.memref_slice %arg4[%add3A_204, %dma_start3A_207] : memref<32768x1024xf32, #tpu.memory_space<hbm>> -> memref<1x1024xf32, #tpu.memory_space<hbm>>
      %dma_start3A_209 = arith.constant 0 : i32
      %dma_start3A_210 = tpu.memref_slice %arg4[%add3A_204, %dma_start3A_209] : memref<32768x1024xf32, #tpu.memory_space<hbm>> -> memref<1x1024xf32, #tpu.memory_space<hbm>>
      %dma_start3A_211 = arith.constant 0 : i32
      %dma_start3A_212 = tpu.memref_slice %arg6[%squeeze3A_199, %dma_start3A_211] : memref<3x1024xf32, #tpu.memory_space<vmem>> -> memref<1x1024xf32, #tpu.memory_space<vmem>>
      tpu.enqueue_dma source(%dma_start3A_212 : memref<1x1024xf32, #tpu.memory_space<vmem>>) target(%dma_start3A_210 : memref<1x1024xf32, #tpu.memory_space<hbm>>) target_semaphore(%arg8 : memref<!tpu.dma_semaphore, #tpu.memory_space<semaphore_mem>>)
      %slice3A_213 = vector.extract_strided_slice %get3A_20 {offsets = [13], sizes = [1], strides = [1]} : vector<16xi32> to vector<1xi32>
      %squeeze3A_214 = vector.extract %slice3A_213[0] : i32 from vector<1xi32>
      %mul3A_215 = arith.constant 16 : i32
      %mul3A_216 = arith.muli %add3A_16, %mul3A_215 : i32
      %add3A_217 = arith.addi %mul3A_2, %mul3A_216 : i32
      %add3A_218 = arith.constant 13 : i32
      %add3A_219 = arith.addi %add3A_217, %add3A_218 : i32
      %dma_start3A_220 = arith.constant 0 : i32
      %dma_start3A_221 = tpu.memref_slice %arg6[%squeeze3A_214, %dma_start3A_220] : memref<3x1024xf32, #tpu.memory_space<vmem>> -> memref<1x1024xf32, #tpu.memory_space<vmem>>
      %dma_start3A_222 = arith.constant 0 : i32
      %dma_start3A_223 = tpu.memref_slice %arg4[%add3A_219, %dma_start3A_222] : memref<32768x1024xf32, #tpu.memory_space<hbm>> -> memref<1x1024xf32, #tpu.memory_space<hbm>>
      %dma_start3A_224 = arith.constant 0 : i32
      %dma_start3A_225 = tpu.memref_slice %arg4[%add3A_219, %dma_start3A_224] : memref<32768x1024xf32, #tpu.memory_space<hbm>> -> memref<1x1024xf32, #tpu.memory_space<hbm>>
      %dma_start3A_226 = arith.constant 0 : i32
      %dma_start3A_227 = tpu.memref_slice %arg6[%squeeze3A_214, %dma_start3A_226] : memref<3x1024xf32, #tpu.memory_space<vmem>> -> memref<1x1024xf32, #tpu.memory_space<vmem>>
      tpu.enqueue_dma source(%dma_start3A_227 : memref<1x1024xf32, #tpu.memory_space<vmem>>) target(%dma_start3A_225 : memref<1x1024xf32, #tpu.memory_space<hbm>>) target_semaphore(%arg8 : memref<!tpu.dma_semaphore, #tpu.memory_space<semaphore_mem>>)
      %slice3A_228 = vector.extract_strided_slice %get3A_20 {offsets = [14], sizes = [1], strides = [1]} : vector<16xi32> to vector<1xi32>
      %squeeze3A_229 = vector.extract %slice3A_228[0] : i32 from vector<1xi32>
      %mul3A_230 = arith.constant 16 : i32
      %mul3A_231 = arith.muli %add3A_16, %mul3A_230 : i32
      %add3A_232 = arith.addi %mul3A_2, %mul3A_231 : i32
      %add3A_233 = arith.constant 14 : i32
      %add3A_234 = arith.addi %add3A_232, %add3A_233 : i32
      %dma_start3A_235 = arith.constant 0 : i32
      %dma_start3A_236 = tpu.memref_slice %arg6[%squeeze3A_229, %dma_start3A_235] : memref<3x1024xf32, #tpu.memory_space<vmem>> -> memref<1x1024xf32, #tpu.memory_space<vmem>>
      %dma_start3A_237 = arith.constant 0 : i32
      %dma_start3A_238 = tpu.memref_slice %arg4[%add3A_234, %dma_start3A_237] : memref<32768x1024xf32, #tpu.memory_space<hbm>> -> memref<1x1024xf32, #tpu.memory_space<hbm>>
      %dma_start3A_239 = arith.constant 0 : i32
      %dma_start3A_240 = tpu.memref_slice %arg4[%add3A_234, %dma_start3A_239] : memref<32768x1024xf32, #tpu.memory_space<hbm>> -> memref<1x1024xf32, #tpu.memory_space<hbm>>
      %dma_start3A_241 = arith.constant 0 : i32
      %dma_start3A_242 = tpu.memref_slice %arg6[%squeeze3A_229, %dma_start3A_241] : memref<3x1024xf32, #tpu.memory_space<vmem>> -> memref<1x1024xf32, #tpu.memory_space<vmem>>
      tpu.enqueue_dma source(%dma_start3A_242 : memref<1x1024xf32, #tpu.memory_space<vmem>>) target(%dma_start3A_240 : memref<1x1024xf32, #tpu.memory_space<hbm>>) target_semaphore(%arg8 : memref<!tpu.dma_semaphore, #tpu.memory_space<semaphore_mem>>)
      %slice3A_243 = vector.extract_strided_slice %get3A_20 {offsets = [15], sizes = [1], strides = [1]} : vector<16xi32> to vector<1xi32>
      %squeeze3A_244 = vector.extract %slice3A_243[0] : i32 from vector<1xi32>
      %mul3A_245 = arith.constant 16 : i32
      %mul3A_246 = arith.muli %add3A_16, %mul3A_245 : i32
      %add3A_247 = arith.addi %mul3A_2, %mul3A_246 : i32
      %add3A_248 = arith.constant 15 : i32
      %add3A_249 = arith.addi %add3A_247, %add3A_248 : i32
      %dma_start3A_250 = arith.constant 0 : i32
      %dma_start3A_251 = tpu.memref_slice %arg6[%squeeze3A_244, %dma_start3A_250] : memref<3x1024xf32, #tpu.memory_space<vmem>> -> memref<1x1024xf32, #tpu.memory_space<vmem>>
      %dma_start3A_252 = arith.constant 0 : i32
      %dma_start3A_253 = tpu.memref_slice %arg4[%add3A_249, %dma_start3A_252] : memref<32768x1024xf32, #tpu.memory_space<hbm>> -> memref<1x1024xf32, #tpu.memory_space<hbm>>
      %dma_start3A_254 = arith.constant 0 : i32
      %dma_start3A_255 = tpu.memref_slice %arg4[%add3A_249, %dma_start3A_254] : memref<32768x1024xf32, #tpu.memory_space<hbm>> -> memref<1x1024xf32, #tpu.memory_space<hbm>>
      %dma_start3A_256 = arith.constant 0 : i32
      %dma_start3A_257 = tpu.memref_slice %arg6[%squeeze3A_244, %dma_start3A_256] : memref<3x1024xf32, #tpu.memory_space<vmem>> -> memref<1x1024xf32, #tpu.memory_space<vmem>>
      tpu.enqueue_dma source(%dma_start3A_257 : memref<1x1024xf32, #tpu.memory_space<vmem>>) target(%dma_start3A_255 : memref<1x1024xf32, #tpu.memory_space<hbm>>) target_semaphore(%arg8 : memref<!tpu.dma_semaphore, #tpu.memory_space<semaphore_mem>>)
    }
    %scan3A_6 = arith.constant 64 : i32
    %scan3A_7 = arith.constant 0 : i32
    %scan3A_8 = arith.constant 16 : i32
    %scan3A_9 = arith.addi %scan3A_7, %scan3A_8 : i32
    %scan3A_10 = arith.constant 1 : i32
    scf.for %scan3A_12 = %scan3A_7 to %scan3A_9 step %scan3A_10  : i32 {
      %mul3A_13 = arith.constant 1 : i32
      %mul3A_14 = arith.muli %scan3A_12, %mul3A_13 : i32
      %add3A_15 = arith.constant 0 : i32
      %add3A_16 = arith.addi %add3A_15, %mul3A_14 : i32
      %dma_wait3A = arith.constant 0 : i32
      %dma_wait3A_17 = tpu.memref_slice %arg4[%mul3A_2, %dma_wait3A] : memref<32768x1024xf32, #tpu.memory_space<hbm>> -> memref<64x1024xf32, #tpu.memory_space<hbm>>
      %dma_wait3A_18 = arith.constant 0 : i32
      %dma_wait3A_19 = tpu.memref_slice %arg4[%mul3A_2, %dma_wait3A_18] : memref<32768x1024xf32, #tpu.memory_space<hbm>> -> memref<64x1024xf32, #tpu.memory_space<hbm>>
      tpu.wait_dma2 semaphore(%arg8 : memref<!tpu.dma_semaphore, #tpu.memory_space<semaphore_mem>>) src(%dma_wait3A_19 : memref<64x1024xf32, #tpu.memory_space<hbm>>) dst(%arg7 : memref<64x1024xf32, #tpu.memory_space<vmem>>)
    }
    %scan3A_11 = arith.constant 16 : i32
    return
  }
}

</mosaic_0001>

<sc_bundles>
// kernel: _sc_embedding_lookup.3.cloned.1.call-start
scs
__scs_entry_jumppad:
0x0: {  	(pc) =	sbr.rel $0x88, $3  }
0x1: {  	(tag) =	ssettag $0x0;
	lr =	simm.s32 $0x1  }
0x2: {  	[smem:$0x3F9F] =	sst lr;
	_ =	strace $0xD0000000  }
0x3: {  	_ = 	snop  }
0x4: {  	_ = 	snop  }
0x5: {  	_ = 	snop  }
0x6: {  	_ = 	snop  }
0x7: {  	_ = 	snop  }
__scs_overlays_trampoline_lowered:
0x8: {  	[smem:$0x3FAE] =	sst s0  }
0x9: {  	[smem:$0x3FAF] =	sst s1  }
0xa: {  	[smem:$0x3FB0] =	sst s2  }
0xb: {  	[smem:$0x3FB1] =	sst s3  }
0xc: {  	[smem:$0x3FB2] =	sst s4  }
0xd: {  	[smem:$0x3FB3] =	sst s5  }
0xe: {  	[smem:$0x3FB4] =	sst s6  }
0xf: {  	[smem:$0x3FB5] =	sst s7  }
0x10: {  	[smem:$0x3FB6] =	sst s8  }
0x11: {  	[smem:$0x3FB7] =	sst s9;
	s0 =	simm.s32 @!p0 $0x0  }
0x12: {  	s1 =	sld [smem:$0x3F9D];
	s0 =	simm.s32 @p0 $0x1  }
0x13: {  	[smem:$0x3FB8] =	sst s0;
	s0 =	simm.s32 @!p1 $0x0  }
0x14: {  	s2 =	sld [smem:$0x3F9C];
	s0 =	simm.s32 @p1 $0x1  }
0x15: {  	[smem:$0x3FB9] =	sst s0;
	s0 =	simm.s32 @!p2 $0x0  }
0x16: {  	s3 =	sld [smem:$0x3FDB];
	s0 =	simm.s32 @p2 $0x1  }
0x17: {  	s4 =	simm.s32 $0x1BF5;
	[smem:$0x3FBB] =	sst s0  }
0x18: {  	s0 =	sld [smem:$0x3F9E];
	_ =	swait.ge [sflag:s4], $0x0  }
0x19: {  	s7 =	sld [smem:$0x3F9F]  }
0x1a: {  	s8 =	sadd.s32 $0xFFFFE003, lr  }
0x1b: {  	s9 =	sadd.s32 $0xFFFFFEF7, lr;
	s5 =	simm.s32 $0xFFFFFFFF;
	p2 =	slt.u32 s8, $0xFFFFF086  }
0x1c: {  	p1 =	slt.u32 s9, $0xF7A;
	s5 =	simm.s32 @!p2 $0x0  }
0x1d: {  	s5 =	simm.s32 @p1 $0x1;
	p0 =	seq.s32 s7, s2  }
0x1e: {  	s7 =	smul.u32 @!p0 $0xF7A, s2;
	p2 =	seq.s32 @!p0 s5, $0x0  }
0x1f: {  	s9 =	smul.u32 $0xF7A, s1;
	s8 =	simm.s32 @!p0 $0x1BF5;
	p2 =	por !p2, p0  }
0x20: {  	[sflag:s8] =	ssyncset.s32 @!p0 $0xFFFFF086;
	s6 =	sadd.s32 @!p0 s3, s7;
	s7 =	simm.s32 @!p0 $0x108  }
0x21: {  	s3 =	sadd.s32 s3, s9;
	s6 =	sadd.s32 @!p0 $0x88, s6;
	s7 =	simm.s32 @p2 $0x1082  }
0x22: {  	[simem:s7], [sflag:s8] =	dma.local @!p0 [hbm:s6], $0xF7A  }
0x23: {  	s9 =	sor.u32 $0xD0000000, s2;
	s6 =	simm.s32 $0x108;
	_ =	swait.ge @!p0 [sflag:s8], $0x0  }
0x24: {  	s3 =	sadd.s32 $0x88, s3;
	s6 =	simm.s32 @!p1 $0x1082;
	[sflag:s4] =	ssyncset.s32 $0xFFFFF086  }
0x25: {  	[simem:s6], [sflag:s4] =	dma.local [hbm:s3], $0xF7A  }
0x26: {  	[smem:$0x3F9F] =	sst s1;
	(tag) =	ssettag s2;
	_ =	strace s9  }
0x27: {  	s1 =	sld [smem:$0x3FAF]  }
0x28: {  	s2 =	sld [smem:$0x3FB0]  }
0x29: {  	s4 =	sld [smem:$0x3FB2]  }
0x2a: {  	p0 =	seq.s32 s5, $0x0;
	s5 =	sld [smem:$0x3FB3]  }
0x2b: {  	s6 =	sld [smem:$0x3FB4]  }
0x2c: {  	s7 =	sld [smem:$0x3FB5]  }
0x2d: {  	s3 =	simm.s32 $0x108;
	s8 =	sld [smem:$0x3FB6]  }
0x2e: {  	s3 =	simm.s32 @!p0 $0x1082;
	s9 =	sld [smem:$0x3FB7]  }
0x2f: {  	lr =	sadd.s32 s0, s3;
	s0 =	sld [smem:$0x3FAE]  }
0x30: {  	s3 =	sld [smem:$0x3FB1]  }
0x31: {  	[smem:$0x3FBA] =	sst s10  }
0x32: {  	s10 =	sld [smem:$0x3FB8];
	_ =	sdelay $0x3  }
0x33: {  	p0 =	seq.s32 s10, $0x1;
	s10 =	sld [smem:$0x3FBA];
	_ =	sdelay $0x3  }
0x34: {  	[smem:$0x3FBA] =	sst s10  }
0x35: {  	s10 =	sld [smem:$0x3FB9];
	_ =	sdelay $0x3  }
0x36: {  	p1 =	seq.s32 s10, $0x1;
	s10 =	sld [smem:$0x3FBA];
	_ =	sdelay $0x3  }
0x37: {  	[smem:$0x3FBA] =	sst s10  }
0x38: {  	s10 =	sld [smem:$0x3FBB]  }
0x39: {  	_ = 	snop;
	(pc) =	sbr.ind lr, $3  }
0x3a: {  	_ = 	snop  }
0x3b: {  	_ = 	snop  }
0x3c: {  	p2 =	seq.s32 s10, $0x1;
	s10 =	sld [smem:$0x3FBA]  }
0x3d: {  	_ =	shalt  }
0x3e: {  	_ =	shalt  }
0x3f: {  	_ =	shalt  }
0x40: {  	_ =	shalt  }
0x41: {  	_ =	shalt  }
0x42: {  	_ =	shalt  }
0x43: {  	_ =	shalt  }
0x44: {  	_ =	shalt  }
0x45: {  	_ =	shalt  }
0x46: {  	_ =	shalt  }
0x47: {  	_ =	shalt  }
0x48: {  	_ =	shalt  }
0x49: {  	_ =	shalt  }
0x4a: {  	_ =	shalt  }
0x4b: {  	_ =	shalt  }
0x4c: {  	_ =	shalt  }
0x4d: {  	_ =	shalt  }
0x4e: {  	_ =	shalt  }
0x4f: {  	_ =	shalt  }
0x50: {  	_ =	shalt  }
0x51: {  	_ =	shalt  }
0x52: {  	_ =	shalt  }
0x53: {  	_ =	shalt  }
0x54: {  	_ =	shalt  }
0x55: {  	_ =	shalt  }
0x56: {  	_ =	shalt  }
0x57: {  	_ =	shalt  }
0x58: {  	_ =	shalt  }
0x59: {  	_ =	shalt  }
0x5a: {  	_ =	shalt  }
0x5b: {  	_ =	shalt  }
0x5c: {  	_ =	shalt  }
0x5d: {  	_ =	shalt  }
0x5e: {  	_ =	shalt  }
0x5f: {  	_ =	shalt  }
0x60: {  	_ =	shalt  }
0x61: {  	_ =	shalt  }
0x62: {  	_ =	shalt  }
0x63: {  	_ =	shalt  }
0x64: {  	_ =	shalt  }
0x65: {  	_ =	shalt  }
0x66: {  	_ =	shalt  }
0x67: {  	_ =	shalt  }
0x68: {  	_ =	shalt  }
0x69: {  	_ =	shalt  }
0x6a: {  	_ =	shalt  }
0x6b: {  	_ =	shalt  }
0x6c: {  	_ =	shalt  }
0x6d: {  	_ =	shalt  }
0x6e: {  	_ =	shalt  }
0x6f: {  	_ =	shalt  }
0x70: {  	_ =	shalt  }
0x71: {  	_ =	shalt  }
0x72: {  	_ =	shalt  }
0x73: {  	_ =	shalt  }
0x74: {  	_ =	shalt  }
0x75: {  	_ =	shalt  }
0x76: {  	_ =	shalt  }
0x77: {  	_ =	shalt  }
0x78: {  	_ =	shalt  }
0x79: {  	_ =	shalt  }
0x7a: {  	_ =	shalt  }
0x7b: {  	_ =	shalt  }
0x7c: {  	_ =	shalt  }
0x7d: {  	_ =	shalt  }
0x7e: {  	_ =	shalt  }
0x7f: {  	_ =	shalt  }
0x80: {  	_ =	shalt  }
0x81: {  	_ =	shalt  }
0x82: {  	_ =	shalt  }
0x83: {  	_ =	shalt  }
0x84: {  	_ =	shalt  }
0x85: {  	_ =	shalt  }
0x86: {  	_ =	shalt  }
0x87: {  	_ =	shalt  }
.Lfunc_end0:
.L_simem_size_0:
called_computation_lowered:
.L_overlay_start_0:
0x88: {  	s2 =	sld [smem:$0x3FD9]  }
0x89: {  	s3 =	sld [smem:$0x3FFE];
	_ =	sdelay $0x1  }
0x8a: {  	s1 =	srdreg.scid  }
0x8b: {  	s0 =	sand.u32 $0x1, s1  }
0x8c: {  	s18 =	sshll.u32 s0, $0xA;
	s2 =	sadd.s32 s3, s2  }
0x8d: {  	s2 =	sadd.s32 s2, s18  }
0x8e: {  	[smem:$0x3FC6] =	sst s2  }
0x8f: {  	_ = 	snop  }
0x90: {  	s2 =	sld [smem:$0x3FC9]  }
0x91: {  	s19 =	sld [smem:$0x3FC8]  }
0x92: {  	s4 =	sld [smem:$0x3FD0];
	(tm) =	ssettm $0x1  }
0x93: {  	s5 =	sld [smem:$0x3FFB];
	_ =	sdelay $0x3  }
0x94: {  	_ =	strace s5  }
0x95: {  	s5 =	sld [smem:$0x3FFC];
	_ =	sdelay $0x3  }
0x96: {  	_ =	strace s5  }
0x97: {  	s5 =	sld [smem:$0x3FFD];
	_ =	sdelay $0x3  }
0x98: {  	_ =	strace s5  }
0x99: {  	_ =	strace $0x8FFFFFFF  }
0x9a: {  	s20 =	sld [smem:$0x3FDB];
	_ =	sdelay $0x1  }
0x9b: {  	s6 =	simm.s32 $_scs_section_size  }
0x9c: {  	s7 =	simm.s32 $_size__tile_overlayer_lowered;
	s8 =	simm.s32 $_tile_overlayer_lowered  }
0x9d: {  	s23 =	simm.s32 $0x1BFF;
	s22 =	sshll.u32 s8, $0x1;
	s5 =	sadd.s32 s6, s20  }
0x9e: {  	s9 =	simm.s32 $0x0;
	s21 =	sshll.u32 s7, $0x1;
	s7 =	sadd.s32 s22, s5  }
0x9f: {  	[timem:s9], [sflag:s23] =	dma.local [hbm:s7], s21  }
0xa0: {  	_ =	swait.ge [sflag:s23], s21  }
0xa1: {  	s6 =	ssub.s32 $0x0, s21;
	[sflag:s23] =	ssyncset.done $0x0  }
0xa2: {  	[sflag:s23] =	ssyncadd.s32 s6;
	_ =	sdelay $0x1  }
0xa3: {  	s24 =	simm.s32 $0x1B8B  }
0xa4: {  	_ =	swait.ge [sflag:s24], $0x1  }
0xa5: {  	[sflag:s24] =	ssyncset.done $0x0  }
0xa6: {  	s25 =	simm.s32 $0x1B8E;
	[sflag:s24] =	ssyncadd.s32 $0xFFFFFFFF  }
0xa7: {  	s26 =	simm.s32 $execute0_lowered;
	[smem:$0x3FD2] =	sst s25  }
0xa8: {  	s6 =	sshll.u32 s26, $0x1;
	_ =	strace $0x80000046;
	[dreg:$0x1] =	wrdreg $0xFFFFFFFF  }
0xa9: {  	s28 =	simm.s32 $_size_execute0_lowered;
	s5 =	sadd.s32 s5, s6;
	[dreg:$0x0] =	wrdreg $0x0  }
0xaa: {  	s6 =	sshll.u32 s28, $0x1;
	[dreg:$0x2] =	wrdreg s5  }
0xab: {  	[dreg:$0x3] =	wrdreg s6  }
0xac: {  	[dreg:$0x4] =	wrdreg $0xC0  }
0xad: {  	_ =	task [dreg:s9], $0x5FFFF  }
0xae: {  	[dreg:$0x1] =	wrdreg $0xFFFFFFFF  }
0xaf: {  	[dreg:$0x0] =	wrdreg $0x60  }
0xb0: {  	[dreg:$0x2] =	wrdreg s2  }
0xb1: {  	[dreg:$0x3] =	wrdreg s19  }
0xb2: {  	[dreg:$0x4] =	wrdreg s4  }
0xb3: {  	[dreg:$0x5] =	wrdreg $0x9  }
0xb4: {  	_ =	task.clear_ibuf [dreg:s9], $0x6FFFF;
	_ =	strace $0x90000046  }
0xb5: {  	s29 =	simm.s32 $0x9;
	_ =	strace $0x80000048  }
0xb6: {  	_ =	swait.ge [sflag:s29], $0x1  }
0xb7: {  	[sflag:s29] =	ssyncadd.s32 $0xFFFFFFFF  }
0xb8: {  	_ =	strace $0x90000048  }
0xb9: {  	_ =	sfence  }
0xba: {  	s30 =	sld [smem:$0x0];
	_ =	sdelay $0x2  }
0xbb: {  	s31 =	sshll.u32 s1, $0xD;
	s1 =	sshrl.u32 s1, $0x2  }
0xbc: {  	s3 =	sand.u32 $0x4000, s31;
	s1 =	sadd.s32 s1, s30  }
0xbd: {  	s0 =	sor.u32 s3, s0;
	s1 =	sshll.u32 s1, $0x11  }
0xbe: {  	s0 =	sor.u32 s1, s0  }
0xbf: {  	s0 =	sadd.s32 $0x8F2B, s0  }
0xc0: {  	[sflag:s0] =	ssyncadd.remote.s32 $0x1  }
0xc1: {  	_ =	sfence.sel $0xFFFF  }
0xc2: {  	[dreg:$0x0] =	wrdreg $0xFFFFFFFF;
	(pc) =	sbr.abs _section_cstart, $3  }
0xc3: {  	[dreg:$0x1] =	wrdreg $0xFFFFFFFF  }
0xc4: {  	_ =	task.clear_ibuf [dreg:s9], $0x2FFFF;
	_ =	strace $0x9FFFFFFF  }
0xc5: {  	(tm) =	ssettm $0x7FFFFFFF  }
tec
execute0_lowered:
.L_overlay_start_1:
0x0: {  	(tag) =	ssettag $0x1  }
0x1: {  	s1 =	rddreg [dreg:$0x0]  }
0x2: {  	s4 =	rddreg [dreg:$0x1]  }
0x3: {  	s5 =	rddreg [dreg:$0x2]  }
0x4: {  	s0 =	rddreg [dreg:$0x3]  }
0x5: {  	s3 =	simm.s32 $0x0;
	s6 =	srdreg.scid;
	s2 =	stileid.u32  }
0x6: {  	[smem:$0x7FF] =	sst s3;
	s6 =	sand.u32 $0x1, s6;
	s7 =	sshll.u32 s2, $0xB  }
0x7: {  	s9 =	sshll.u32 s2, $0x12;
	_ =	strace $0x80000047;
	s8 =	sshll.u32 s6, $0xA  }
0x8: {  	s30 =	ssub.s32 $0x2, s6;
	s5 =	sadd.s32 s9, s5;
	s6 =	sshll.u32 s6, $0x11  }
0x9: {  	s9 =	simm.s32 $0x0;
	s7 =	sor.u32 s8, s7;
	s31 =	sshrl.u32 s30, $0x1  }
0xa: {  	s6 =	sadd.s32 s6, s5;
	s7 =	sshrl.u32 s7, $0x3;
	s8 =	ssub.s32 s30, s31  }
0xb: {  	[dreg:$0x4] =	wrdreg s6;
	s6 =	simm.s32 $0x400;
	s4 =	sadd.s32 s4, s7  }
0xc: {  	s5 =	smax.u32 s8, $0x1;
	s7 =	simm.s32 $0x2;
	s8 =	simm.s32 $0x1  }
.LBB2_1:
0xd: {  	[tilespmem:s6], [sflag:$0x2] =	stream.linear.gather [hbm4b:s1+s3], $0x1000, $0x38;
	[tilespmem:$0x1400] =	vst v63  }
0xe: {  	_ =	swait.ge [sflag:s7], $0x1000  }
0xf: {  	[sflag:s7] =	ssyncset.done $0x0  }
0x10: {  	[sflag:s7] =	ssyncadd.s32 $0xFFFFF000  }
0x11: {  	[tilespmem:s3], [sflag:$0x2] =	stream.linear.gather [hbm4b:s4+s3], $0x400, $0x38;
	[tilespmem:$0x1400] =	vst v63  }
0x12: {  	_ =	swait.ge [sflag:s7], $0x400  }
0x13: {  	[sflag:s7] =	ssyncset.done $0x0  }
0x14: {  	[sflag:s7] =	ssyncadd.s32 $0xFFFFFC00  }
0x15: {  	v0 =	vld [tilespmem:s3+$0x0];
	_ =	sdelay $0x4  }
0x16: {  	(v2sf) =	vpush v0, $0x0;
	_ =	sdelay $0x7  }
0x17: {  	(v2sf) =	vpush v0, $0x1;
	_ =	sdelay $0x6  }
0x18: {  	s10 =	spop (v2sf)  }
0x19: {  	s12 =	sshll.u32 s10, $0xA;
	s10 =	sshll.u32 s10, $0x7  }
0x1a: {  	s12 =	sand.u32 $0xFFFFF000, s12;
	s10 =	sand.u32 $0x180, s10  }
0x1b: {  	s11 =	rddreg [dreg:$0x4];
	s12 =	sor.u32 s10, s12  }
0x1c: {  	s10 =	sadd.s32 $0x0, s11;
	s13 =	sor.u32 $0x400, s12  }
0x1d: {  	[hbm4b:s10+s3] =	stream.linear.scatter [tilespmem:s13], [sflag:$0x1], $0x80, $0x38;
	[tilespmem:$0x1400] =	vst v63  }
0x1e: {  	s19 =	sor.u32 $0x600, s12;
	s20 =	sadd.s32 $0x80, s10  }
0x1f: {  	[hbm4b:s20+s3] =	stream.linear.scatter [tilespmem:s19], [sflag:$0x1], $0x80, $0x38;
	[tilespmem:$0x1400] =	vst v63  }
0x20: {  	s21 =	spop (v2sf);
	s22 =	sor.u32 $0x800, s12;
	s14 =	sadd.s32 $0x100, s10  }
0x21: {  	(v2sf) =	vpush v0, $0x2;
	[hbm4b:s14+s3] =	stream.linear.scatter [tilespmem:s22], [sflag:$0x1], $0x80, $0x38;
	[tilespmem:$0x1400] =	vst v63  }
0x22: {  	s23 =	sshll.u32 s21, $0xA;
	s24 =	sor.u32 $0xA00, s12;
	s15 =	sadd.s32 $0x180, s10  }
0x23: {  	[hbm4b:s15+s3] =	stream.linear.scatter [tilespmem:s24], [sflag:$0x1], $0x80, $0x38;
	[tilespmem:$0x1400] =	vst v63  }
0x24: {  	s11 =	sshll.u32 s21, $0x7;
	s25 =	sor.u32 $0xC00, s12;
	s26 =	sadd.s32 $0x200, s10  }
0x25: {  	[hbm4b:s26+s3] =	stream.linear.scatter [tilespmem:s25], [sflag:$0x1], $0x80, $0x38;
	[tilespmem:$0x1400] =	vst v63  }
0x26: {  	s28 =	sor.u32 $0xE00, s12;
	s29 =	sadd.s32 $0x280, s10;
	s11 =	sand.u32 $0x180, s11  }
0x27: {  	[hbm4b:s29+s3] =	stream.linear.scatter [tilespmem:s28], [sflag:$0x1], $0x80, $0x38;
	[tilespmem:$0x1400] =	vst v63  }
0x28: {  	s30 =	sadd.s32 $0x1000, s12;
	s31 =	sadd.s32 $0x300, s10;
	s13 =	sand.u32 $0xFFFFF000, s23  }
0x29: {  	[hbm4b:s31+s3] =	stream.linear.scatter [tilespmem:s30], [sflag:$0x1], $0x80, $0x38;
	[tilespmem:$0x1400] =	vst v63  }
0x2a: {  	s12 =	sadd.s32 $0x1200, s12;
	s11 =	sor.u32 s11, s13;
	s14 =	sadd.s32 $0x380, s10  }
0x2b: {  	[hbm4b:s14+s3] =	stream.linear.scatter [tilespmem:s12], [sflag:$0x1], $0x80, $0x38;
	[tilespmem:$0x1400] =	vst v63  }
0x2c: {  	s16 =	sadd.s32 $0x10, s10;
	s15 =	sor.u32 $0x400, s11  }
0x2d: {  	[hbm4b:s16+s3] =	stream.linear.scatter [tilespmem:s15], [sflag:$0x1], $0x80, $0x38;
	[tilespmem:$0x1400] =	vst v63  }
0x2e: {  	s18 =	sadd.s32 $0x90, s10;
	s17 =	sor.u32 $0x600, s11  }
0x2f: {  	[hbm4b:s18+s3] =	stream.linear.scatter [tilespmem:s17], [sflag:$0x1], $0x80, $0x38;
	[tilespmem:$0x1400] =	vst v63  }
0x30: {  	s21 =	sadd.s32 $0x110, s10;
	s20 =	sor.u32 $0x800, s11;
	s19 =	spop (v2sf)  }
0x31: {  	(v2sf) =	vpush v0, $0x3;
	[hbm4b:s21+s3] =	stream.linear.scatter [tilespmem:s20], [sflag:$0x1], $0x80, $0x38;
	[tilespmem:$0x1400] =	vst v63  }
0x32: {  	s23 =	sor.u32 $0xA00, s11;
	s24 =	sadd.s32 $0x190, s10;
	s25 =	sor.u32 $0xC00, s11  }
0x33: {  	[hbm4b:s24+s3] =	stream.linear.scatter [tilespmem:s23], [sflag:$0x1], $0x80, $0x38;
	[tilespmem:$0x1400] =	vst v63  }
0x34: {  	s26 =	sadd.s32 $0x210, s10;
	s28 =	sor.u32 $0xE00, s11;
	s22 =	sshll.u32 s19, $0xA  }
0x35: {  	[hbm4b:s26+s3] =	stream.linear.scatter [tilespmem:s25], [sflag:$0x1], $0x80, $0x38;
	[tilespmem:$0x1400] =	vst v63  }
0x36: {  	s29 =	sadd.s32 $0x290, s10;
	s13 =	sand.u32 $0xFFFFF000, s22;
	s12 =	sshll.u32 s19, $0x7  }
0x37: {  	[hbm4b:s29+s3] =	stream.linear.scatter [tilespmem:s28], [sflag:$0x1], $0x80, $0x38;
	[tilespmem:$0x1400] =	vst v63  }
0x38: {  	s30 =	sadd.s32 $0x1000, s11;
	s31 =	sadd.s32 $0x310, s10;
	s12 =	sand.u32 $0x180, s12  }
0x39: {  	[hbm4b:s31+s3] =	stream.linear.scatter [tilespmem:s30], [sflag:$0x1], $0x80, $0x38;
	[tilespmem:$0x1400] =	vst v63  }
0x3a: {  	s11 =	sadd.s32 $0x1200, s11;
	s14 =	sadd.s32 $0x390, s10;
	s12 =	sor.u32 s12, s13  }
0x3b: {  	[hbm4b:s14+s3] =	stream.linear.scatter [tilespmem:s11], [sflag:$0x1], $0x80, $0x38;
	[tilespmem:$0x1400] =	vst v63  }
0x3c: {  	s16 =	sadd.s32 $0x20, s10;
	s15 =	sor.u32 $0x400, s12  }
0x3d: {  	[hbm4b:s16+s3] =	stream.linear.scatter [tilespmem:s15], [sflag:$0x1], $0x80, $0x38;
	[tilespmem:$0x1400] =	vst v63  }
0x3e: {  	s17 =	sor.u32 $0x600, s12;
	s18 =	sadd.s32 $0xA0, s10  }
0x3f: {  	[hbm4b:s18+s3] =	stream.linear.scatter [tilespmem:s17], [sflag:$0x1], $0x80, $0x38;
	[tilespmem:$0x1400] =	vst v63  }
0x40: {  	s20 =	sor.u32 $0x800, s12;
	s21 =	sadd.s32 $0x120, s10;
	s19 =	spop (v2sf)  }
0x41: {  	(v2sf) =	vpush v0, $0x4;
	[hbm4b:s21+s3] =	stream.linear.scatter [tilespmem:s20], [sflag:$0x1], $0x80, $0x38;
	[tilespmem:$0x1400] =	vst v63  }
0x42: {  	s23 =	sor.u32 $0xA00, s12;
	s24 =	sadd.s32 $0x1A0, s10;
	s25 =	sor.u32 $0xC00, s12  }
0x43: {  	[hbm4b:s24+s3] =	stream.linear.scatter [tilespmem:s23], [sflag:$0x1], $0x80, $0x38;
	[tilespmem:$0x1400] =	vst v63  }
0x44: {  	s26 =	sadd.s32 $0x220, s10;
	s22 =	sshll.u32 s19, $0xA;
	s28 =	sor.u32 $0xE00, s12  }
0x45: {  	[hbm4b:s26+s3] =	stream.linear.scatter [tilespmem:s25], [sflag:$0x1], $0x80, $0x38;
	[tilespmem:$0x1400] =	vst v63  }
0x46: {  	s29 =	sadd.s32 $0x2A0, s10;
	s13 =	sand.u32 $0xFFFFF000, s22;
	s11 =	sshll.u32 s19, $0x7  }
0x47: {  	[hbm4b:s29+s3] =	stream.linear.scatter [tilespmem:s28], [sflag:$0x1], $0x80, $0x38;
	[tilespmem:$0x1400] =	vst v63  }
0x48: {  	s30 =	sadd.s32 $0x1000, s12;
	s31 =	sadd.s32 $0x320, s10;
	s11 =	sand.u32 $0x180, s11  }
0x49: {  	[hbm4b:s31+s3] =	stream.linear.scatter [tilespmem:s30], [sflag:$0x1], $0x80, $0x38;
	[tilespmem:$0x1400] =	vst v63  }
0x4a: {  	s12 =	sadd.s32 $0x1200, s12;
	s14 =	sadd.s32 $0x3A0, s10;
	s11 =	sor.u32 s11, s13  }
0x4b: {  	[hbm4b:s14+s3] =	stream.linear.scatter [tilespmem:s12], [sflag:$0x1], $0x80, $0x38;
	[tilespmem:$0x1400] =	vst v63  }
0x4c: {  	s16 =	sadd.s32 $0x30, s10;
	s15 =	sor.u32 $0x400, s11  }
0x4d: {  	[hbm4b:s16+s3] =	stream.linear.scatter [tilespmem:s15], [sflag:$0x1], $0x80, $0x38;
	[tilespmem:$0x1400] =	vst v63  }
0x4e: {  	s17 =	sor.u32 $0x600, s11;
	s18 =	sadd.s32 $0xB0, s10  }
0x4f: {  	[hbm4b:s18+s3] =	stream.linear.scatter [tilespmem:s17], [sflag:$0x1], $0x80, $0x38;
	[tilespmem:$0x1400] =	vst v63  }
0x50: {  	s20 =	sor.u32 $0x800, s11;
	s21 =	sadd.s32 $0x130, s10;
	s19 =	spop (v2sf)  }
0x51: {  	(v2sf) =	vpush v0, $0x5;
	[hbm4b:s21+s3] =	stream.linear.scatter [tilespmem:s20], [sflag:$0x1], $0x80, $0x38;
	[tilespmem:$0x1400] =	vst v63  }
0x52: {  	s23 =	sor.u32 $0xA00, s11;
	s24 =	sadd.s32 $0x1B0, s10;
	s22 =	sshll.u32 s19, $0xA  }
0x53: {  	[hbm4b:s24+s3] =	stream.linear.scatter [tilespmem:s23], [sflag:$0x1], $0x80, $0x38;
	[tilespmem:$0x1400] =	vst v63  }
0x54: {  	s25 =	sor.u32 $0xC00, s11;
	s26 =	sadd.s32 $0x230, s10;
	s13 =	sand.u32 $0xFFFFF000, s22  }
0x55: {  	[hbm4b:s26+s3] =	stream.linear.scatter [tilespmem:s25], [sflag:$0x1], $0x80, $0x38;
	[tilespmem:$0x1400] =	vst v63  }
0x56: {  	s28 =	sor.u32 $0xE00, s11;
	s29 =	sadd.s32 $0x2B0, s10;
	s12 =	sshll.u32 s19, $0x7  }
0x57: {  	[hbm4b:s29+s3] =	stream.linear.scatter [tilespmem:s28], [sflag:$0x1], $0x80, $0x38;
	[tilespmem:$0x1400] =	vst v63  }
0x58: {  	s30 =	sadd.s32 $0x1000, s11;
	s31 =	sadd.s32 $0x330, s10;
	s12 =	sand.u32 $0x180, s12  }
0x59: {  	[hbm4b:s31+s3] =	stream.linear.scatter [tilespmem:s30], [sflag:$0x1], $0x80, $0x38;
	[tilespmem:$0x1400] =	vst v63  }
0x5a: {  	s11 =	sadd.s32 $0x1200, s11;
	s14 =	sadd.s32 $0x3B0, s10;
	s12 =	sor.u32 s12, s13  }
0x5b: {  	[hbm4b:s14+s3] =	stream.linear.scatter [tilespmem:s11], [sflag:$0x1], $0x80, $0x38;
	[tilespmem:$0x1400] =	vst v63  }
0x5c: {  	s16 =	sadd.s32 $0x40, s10;
	s15 =	sor.u32 $0x400, s12  }
0x5d: {  	[hbm4b:s16+s3] =	stream.linear.scatter [tilespmem:s15], [sflag:$0x1], $0x80, $0x38;
	[tilespmem:$0x1400] =	vst v63  }
0x5e: {  	s17 =	sor.u32 $0x600, s12;
	s18 =	sadd.s32 $0xC0, s10  }
0x5f: {  	[hbm4b:s18+s3] =	stream.linear.scatter [tilespmem:s17], [sflag:$0x1], $0x80, $0x38;
	[tilespmem:$0x1400] =	vst v63  }
0x60: {  	s20 =	sor.u32 $0x800, s12;
	s21 =	sadd.s32 $0x140, s10;
	s19 =	spop (v2sf)  }
0x61: {  	(v2sf) =	vpush v0, $0x6;
	[hbm4b:s21+s3] =	stream.linear.scatter [tilespmem:s20], [sflag:$0x1], $0x80, $0x38;
	[tilespmem:$0x1400] =	vst v63  }
0x62: {  	s23 =	sor.u32 $0xA00, s12;
	s24 =	sadd.s32 $0x1C0, s10;
	s22 =	sshll.u32 s19, $0xA  }
0x63: {  	[hbm4b:s24+s3] =	stream.linear.scatter [tilespmem:s23], [sflag:$0x1], $0x80, $0x38;
	[tilespmem:$0x1400] =	vst v63  }
0x64: {  	s25 =	sor.u32 $0xC00, s12;
	s26 =	sadd.s32 $0x240, s10;
	s13 =	sand.u32 $0xFFFFF000, s22  }
0x65: {  	[hbm4b:s26+s3] =	stream.linear.scatter [tilespmem:s25], [sflag:$0x1], $0x80, $0x38;
	[tilespmem:$0x1400] =	vst v63  }
0x66: {  	s28 =	sor.u32 $0xE00, s12;
	s29 =	sadd.s32 $0x2C0, s10;
	s11 =	sshll.u32 s19, $0x7  }
0x67: {  	[hbm4b:s29+s3] =	stream.linear.scatter [tilespmem:s28], [sflag:$0x1], $0x80, $0x38;
	[tilespmem:$0x1400] =	vst v63  }
0x68: {  	s30 =	sadd.s32 $0x1000, s12;
	s31 =	sadd.s32 $0x340, s10;
	s11 =	sand.u32 $0x180, s11  }
0x69: {  	[hbm4b:s31+s3] =	stream.linear.scatter [tilespmem:s30], [sflag:$0x1], $0x80, $0x38;
	[tilespmem:$0x1400] =	vst v63  }
0x6a: {  	s12 =	sadd.s32 $0x1200, s12;
	s14 =	sadd.s32 $0x3C0, s10;
	s11 =	sor.u32 s11, s13  }
0x6b: {  	[hbm4b:s14+s3] =	stream.linear.scatter [tilespmem:s12], [sflag:$0x1], $0x80, $0x38;
	[tilespmem:$0x1400] =	vst v63  }
0x6c: {  	s16 =	sadd.s32 $0x50, s10;
	s15 =	sor.u32 $0x400, s11  }
0x6d: {  	[hbm4b:s16+s3] =	stream.linear.scatter [tilespmem:s15], [sflag:$0x1], $0x80, $0x38;
	[tilespmem:$0x1400] =	vst v63  }
0x6e: {  	s17 =	sor.u32 $0x600, s11;
	s18 =	sadd.s32 $0xD0, s10  }
0x6f: {  	[hbm4b:s18+s3] =	stream.linear.scatter [tilespmem:s17], [sflag:$0x1], $0x80, $0x38;
	[tilespmem:$0x1400] =	vst v63  }
0x70: {  	s20 =	sor.u32 $0x800, s11;
	s21 =	sadd.s32 $0x150, s10;
	s19 =	spop (v2sf)  }
0x71: {  	(v2sf) =	vpush v0, $0x7;
	[hbm4b:s21+s3] =	stream.linear.scatter [tilespmem:s20], [sflag:$0x1], $0x80, $0x38;
	[tilespmem:$0x1400] =	vst v63  }
0x72: {  	s23 =	sor.u32 $0xA00, s11;
	s24 =	sadd.s32 $0x1D0, s10;
	s22 =	sshll.u32 s19, $0xA  }
0x73: {  	[hbm4b:s24+s3] =	stream.linear.scatter [tilespmem:s23], [sflag:$0x1], $0x80, $0x38;
	[tilespmem:$0x1400] =	vst v63  }
0x74: {  	s25 =	sor.u32 $0xC00, s11;
	s26 =	sadd.s32 $0x250, s10;
	s13 =	sand.u32 $0xFFFFF000, s22  }
0x75: {  	[hbm4b:s26+s3] =	stream.linear.scatter [tilespmem:s25], [sflag:$0x1], $0x80, $0x38;
	[tilespmem:$0x1400] =	vst v63  }
0x76: {  	s28 =	sor.u32 $0xE00, s11;
	s29 =	sadd.s32 $0x2D0, s10;
	s12 =	sshll.u32 s19, $0x7  }
0x77: {  	[hbm4b:s29+s3] =	stream.linear.scatter [tilespmem:s28], [sflag:$0x1], $0x80, $0x38;
	[tilespmem:$0x1400] =	vst v63  }
0x78: {  	s30 =	sadd.s32 $0x1000, s11;
	s31 =	sadd.s32 $0x350, s10;
	s12 =	sand.u32 $0x180, s12  }
0x79: {  	[hbm4b:s31+s3] =	stream.linear.scatter [tilespmem:s30], [sflag:$0x1], $0x80, $0x38;
	[tilespmem:$0x1400] =	vst v63  }
0x7a: {  	s11 =	sadd.s32 $0x1200, s11;
	s14 =	sadd.s32 $0x3D0, s10;
	s12 =	sor.u32 s12, s13  }
0x7b: {  	[hbm4b:s14+s3] =	stream.linear.scatter [tilespmem:s11], [sflag:$0x1], $0x80, $0x38;
	[tilespmem:$0x1400] =	vst v63  }
0x7c: {  	s16 =	sadd.s32 $0x60, s10;
	s15 =	sor.u32 $0x400, s12  }
0x7d: {  	[hbm4b:s16+s3] =	stream.linear.scatter [tilespmem:s15], [sflag:$0x1], $0x80, $0x38;
	[tilespmem:$0x1400] =	vst v63  }
0x7e: {  	s17 =	sor.u32 $0x600, s12;
	s18 =	sadd.s32 $0xE0, s10  }
0x7f: {  	[hbm4b:s18+s3] =	stream.linear.scatter [tilespmem:s17], [sflag:$0x1], $0x80, $0x38;
	[tilespmem:$0x1400] =	vst v63  }
0x80: {  	s20 =	sor.u32 $0x800, s12;
	s21 =	sadd.s32 $0x160, s10;
	s19 =	spop (v2sf)  }
0x81: {  	(v2sf) =	vpush v0, $0x8;
	[hbm4b:s21+s3] =	stream.linear.scatter [tilespmem:s20], [sflag:$0x1], $0x80, $0x38;
	[tilespmem:$0x1400] =	vst v63  }
0x82: {  	s22 =	sshll.u32 s19, $0xA;
	s23 =	sor.u32 $0xA00, s12;
	s24 =	sadd.s32 $0x1E0, s10  }
0x83: {  	[hbm4b:s24+s3] =	stream.linear.scatter [tilespmem:s23], [sflag:$0x1], $0x80, $0x38;
	[tilespmem:$0x1400] =	vst v63  }
0x84: {  	s13 =	sand.u32 $0xFFFFF000, s22;
	s25 =	sor.u32 $0xC00, s12;
	s26 =	sadd.s32 $0x260, s10  }
0x85: {  	[hbm4b:s26+s3] =	stream.linear.scatter [tilespmem:s25], [sflag:$0x1], $0x80, $0x38;
	[tilespmem:$0x1400] =	vst v63  }
0x86: {  	s28 =	sor.u32 $0xE00, s12;
	s29 =	sadd.s32 $0x2E0, s10;
	s11 =	sshll.u32 s19, $0x7  }
0x87: {  	[hbm4b:s29+s3] =	stream.linear.scatter [tilespmem:s28], [sflag:$0x1], $0x80, $0x38;
	[tilespmem:$0x1400] =	vst v63  }
0x88: {  	s30 =	sadd.s32 $0x1000, s12;
	s31 =	sadd.s32 $0x360, s10;
	s11 =	sand.u32 $0x180, s11  }
0x89: {  	[hbm4b:s31+s3] =	stream.linear.scatter [tilespmem:s30], [sflag:$0x1], $0x80, $0x38;
	[tilespmem:$0x1400] =	vst v63  }
0x8a: {  	s12 =	sadd.s32 $0x1200, s12;
	s14 =	sadd.s32 $0x3E0, s10;
	s11 =	sor.u32 s11, s13  }
0x8b: {  	[hbm4b:s14+s3] =	stream.linear.scatter [tilespmem:s12], [sflag:$0x1], $0x80, $0x38;
	[tilespmem:$0x1400] =	vst v63  }
0x8c: {  	s15 =	sadd.s32 $0x70, s10;
	s16 =	sor.u32 $0x400, s11  }
0x8d: {  	[hbm4b:s15+s3] =	stream.linear.scatter [tilespmem:s16], [sflag:$0x1], $0x80, $0x38;
	[tilespmem:$0x1400] =	vst v63  }
0x8e: {  	s17 =	sor.u32 $0x600, s11;
	s18 =	sadd.s32 $0xF0, s10  }
0x8f: {  	[hbm4b:s18+s3] =	stream.linear.scatter [tilespmem:s17], [sflag:$0x1], $0x80, $0x38;
	[tilespmem:$0x1400] =	vst v63  }
0x90: {  	s19 =	spop (v2sf);
	s20 =	sor.u32 $0x800, s11;
	s21 =	sadd.s32 $0x170, s10  }
0x91: {  	(v2sf) =	vpush v0, $0x9;
	[hbm4b:s21+s3] =	stream.linear.scatter [tilespmem:s20], [sflag:$0x1], $0x80, $0x38;
	[tilespmem:$0x1400] =	vst v63  }
0x92: {  	s22 =	sshll.u32 s19, $0xA;
	s23 =	sor.u32 $0xA00, s11;
	s24 =	sadd.s32 $0x1F0, s10  }
0x93: {  	[hbm4b:s24+s3] =	stream.linear.scatter [tilespmem:s23], [sflag:$0x1], $0x80, $0x38;
	[tilespmem:$0x1400] =	vst v63  }
0x94: {  	s13 =	sand.u32 $0xFFFFF000, s22;
	s25 =	sor.u32 $0xC00, s11;
	s26 =	sadd.s32 $0x270, s10  }
0x95: {  	[hbm4b:s26+s3] =	stream.linear.scatter [tilespmem:s25], [sflag:$0x1], $0x80, $0x38;
	[tilespmem:$0x1400] =	vst v63  }
0x96: {  	s28 =	sor.u32 $0xE00, s11;
	s29 =	sadd.s32 $0x2F0, s10;
	s12 =	sshll.u32 s19, $0x7  }
0x97: {  	[hbm4b:s29+s3] =	stream.linear.scatter [tilespmem:s28], [sflag:$0x1], $0x80, $0x38;
	[tilespmem:$0x1400] =	vst v63  }
0x98: {  	s30 =	sadd.s32 $0x1000, s11;
	s31 =	sadd.s32 $0x370, s10;
	s12 =	sand.u32 $0x180, s12  }
0x99: {  	[hbm4b:s31+s3] =	stream.linear.scatter [tilespmem:s30], [sflag:$0x1], $0x80, $0x38;
	[tilespmem:$0x1400] =	vst v63  }
0x9a: {  	s11 =	sadd.s32 $0x1200, s11;
	s14 =	sadd.s32 $0x3F0, s10;
	s12 =	sor.u32 s12, s13  }
0x9b: {  	[hbm4b:s14+s3] =	stream.linear.scatter [tilespmem:s11], [sflag:$0x1], $0x80, $0x38;
	[tilespmem:$0x1400] =	vst v63  }
0x9c: {  	s15 =	sadd.s32 $0x400, s10;
	s16 =	sor.u32 $0x400, s12  }
0x9d: {  	[hbm4b:s15+s3] =	stream.linear.scatter [tilespmem:s16], [sflag:$0x1], $0x80, $0x38;
	[tilespmem:$0x1400] =	vst v63  }
0x9e: {  	s17 =	sor.u32 $0x600, s12;
	s18 =	sadd.s32 $0x480, s10  }
0x9f: {  	[hbm4b:s18+s3] =	stream.linear.scatter [tilespmem:s17], [sflag:$0x1], $0x80, $0x38;
	[tilespmem:$0x1400] =	vst v63  }
0xa0: {  	s19 =	spop (v2sf);
	s20 =	sor.u32 $0x800, s12;
	s21 =	sadd.s32 $0x500, s10  }
0xa1: {  	(v2sf) =	vpush v0, $0xA;
	[hbm4b:s21+s3] =	stream.linear.scatter [tilespmem:s20], [sflag:$0x1], $0x80, $0x38;
	[tilespmem:$0x1400] =	vst v63  }
0xa2: {  	s22 =	sshll.u32 s19, $0xA;
	s23 =	sor.u32 $0xA00, s12;
	s24 =	sadd.s32 $0x580, s10  }
0xa3: {  	[hbm4b:s24+s3] =	stream.linear.scatter [tilespmem:s23], [sflag:$0x1], $0x80, $0x38;
	[tilespmem:$0x1400] =	vst v63  }
0xa4: {  	s13 =	sand.u32 $0xFFFFF000, s22;
	s25 =	sor.u32 $0xC00, s12;
	s26 =	sadd.s32 $0x600, s10  }
0xa5: {  	[hbm4b:s26+s3] =	stream.linear.scatter [tilespmem:s25], [sflag:$0x1], $0x80, $0x38;
	[tilespmem:$0x1400] =	vst v63  }
0xa6: {  	s28 =	sor.u32 $0xE00, s12;
	s29 =	sadd.s32 $0x680, s10;
	s11 =	sshll.u32 s19, $0x7  }
0xa7: {  	[hbm4b:s29+s3] =	stream.linear.scatter [tilespmem:s28], [sflag:$0x1], $0x80, $0x38;
	[tilespmem:$0x1400] =	vst v63  }
0xa8: {  	s30 =	sadd.s32 $0x1000, s12;
	s31 =	sadd.s32 $0x700, s10;
	s11 =	sand.u32 $0x180, s11  }
0xa9: {  	[hbm4b:s31+s3] =	stream.linear.scatter [tilespmem:s30], [sflag:$0x1], $0x80, $0x38;
	[tilespmem:$0x1400] =	vst v63  }
0xaa: {  	s12 =	sadd.s32 $0x1200, s12;
	s14 =	sadd.s32 $0x780, s10;
	s11 =	sor.u32 s11, s13  }
0xab: {  	[hbm4b:s14+s3] =	stream.linear.scatter [tilespmem:s12], [sflag:$0x1], $0x80, $0x38;
	[tilespmem:$0x1400] =	vst v63  }
0xac: {  	s16 =	sadd.s32 $0x410, s10;
	s15 =	sor.u32 $0x400, s11  }
0xad: {  	[hbm4b:s16+s3] =	stream.linear.scatter [tilespmem:s15], [sflag:$0x1], $0x80, $0x38;
	[tilespmem:$0x1400] =	vst v63  }
0xae: {  	s17 =	sor.u32 $0x600, s11;
	s18 =	sadd.s32 $0x490, s10  }
0xaf: {  	[hbm4b:s18+s3] =	stream.linear.scatter [tilespmem:s17], [sflag:$0x1], $0x80, $0x38;
	[tilespmem:$0x1400] =	vst v63  }
0xb0: {  	s19 =	spop (v2sf);
	s20 =	sor.u32 $0x800, s11;
	s21 =	sadd.s32 $0x510, s10  }
0xb1: {  	(v2sf) =	vpush v0, $0xB;
	[hbm4b:s21+s3] =	stream.linear.scatter [tilespmem:s20], [sflag:$0x1], $0x80, $0x38;
	[tilespmem:$0x1400] =	vst v63  }
0xb2: {  	s22 =	sshll.u32 s19, $0xA;
	s23 =	sor.u32 $0xA00, s11;
	s24 =	sadd.s32 $0x590, s10  }
0xb3: {  	[hbm4b:s24+s3] =	stream.linear.scatter [tilespmem:s23], [sflag:$0x1], $0x80, $0x38;
	[tilespmem:$0x1400] =	vst v63  }
0xb4: {  	s13 =	sand.u32 $0xFFFFF000, s22;
	s25 =	sor.u32 $0xC00, s11;
	s26 =	sadd.s32 $0x610, s10  }
0xb5: {  	[hbm4b:s26+s3] =	stream.linear.scatter [tilespmem:s25], [sflag:$0x1], $0x80, $0x38;
	[tilespmem:$0x1400] =	vst v63  }
0xb6: {  	s28 =	sor.u32 $0xE00, s11;
	s29 =	sadd.s32 $0x690, s10;
	s12 =	sshll.u32 s19, $0x7  }
0xb7: {  	[hbm4b:s29+s3] =	stream.linear.scatter [tilespmem:s28], [sflag:$0x1], $0x80, $0x38;
	[tilespmem:$0x1400] =	vst v63  }
0xb8: {  	s30 =	sadd.s32 $0x1000, s11;
	s31 =	sadd.s32 $0x710, s10;
	s12 =	sand.u32 $0x180, s12  }
0xb9: {  	[hbm4b:s31+s3] =	stream.linear.scatter [tilespmem:s30], [sflag:$0x1], $0x80, $0x38;
	[tilespmem:$0x1400] =	vst v63  }
0xba: {  	s11 =	sadd.s32 $0x1200, s11;
	s14 =	sadd.s32 $0x790, s10;
	s12 =	sor.u32 s12, s13  }
0xbb: {  	[hbm4b:s14+s3] =	stream.linear.scatter [tilespmem:s11], [sflag:$0x1], $0x80, $0x38;
	[tilespmem:$0x1400] =	vst v63  }
0xbc: {  	s16 =	sadd.s32 $0x420, s10;
	s15 =	sor.u32 $0x400, s12  }
0xbd: {  	[hbm4b:s16+s3] =	stream.linear.scatter [tilespmem:s15], [sflag:$0x1], $0x80, $0x38;
	[tilespmem:$0x1400] =	vst v63  }
0xbe: {  	s17 =	sor.u32 $0x600, s12;
	s18 =	sadd.s32 $0x4A0, s10  }
0xbf: {  	[hbm4b:s18+s3] =	stream.linear.scatter [tilespmem:s17], [sflag:$0x1], $0x80, $0x38;
	[tilespmem:$0x1400] =	vst v63  }
0xc0: {  	s19 =	spop (v2sf);
	s20 =	sor.u32 $0x800, s12;
	s21 =	sadd.s32 $0x520, s10  }
0xc1: {  	(v2sf) =	vpush v0, $0xC;
	[hbm4b:s21+s3] =	stream.linear.scatter [tilespmem:s20], [sflag:$0x1], $0x80, $0x38;
	[tilespmem:$0x1400] =	vst v63  }
0xc2: {  	s22 =	sshll.u32 s19, $0xA;
	s23 =	sor.u32 $0xA00, s12;
	s24 =	sadd.s32 $0x5A0, s10  }
0xc3: {  	[hbm4b:s24+s3] =	stream.linear.scatter [tilespmem:s23], [sflag:$0x1], $0x80, $0x38;
	[tilespmem:$0x1400] =	vst v63  }
0xc4: {  	s13 =	sand.u32 $0xFFFFF000, s22;
	s25 =	sor.u32 $0xC00, s12;
	s26 =	sadd.s32 $0x620, s10  }
0xc5: {  	[hbm4b:s26+s3] =	stream.linear.scatter [tilespmem:s25], [sflag:$0x1], $0x80, $0x38;
	[tilespmem:$0x1400] =	vst v63  }
0xc6: {  	s28 =	sor.u32 $0xE00, s12;
	s29 =	sadd.s32 $0x6A0, s10;
	s11 =	sshll.u32 s19, $0x7  }
0xc7: {  	[hbm4b:s29+s3] =	stream.linear.scatter [tilespmem:s28], [sflag:$0x1], $0x80, $0x38;
	[tilespmem:$0x1400] =	vst v63  }
0xc8: {  	s30 =	sadd.s32 $0x1000, s12;
	s31 =	sadd.s32 $0x720, s10;
	s11 =	sand.u32 $0x180, s11  }
0xc9: {  	[hbm4b:s31+s3] =	stream.linear.scatter [tilespmem:s30], [sflag:$0x1], $0x80, $0x38;
	[tilespmem:$0x1400] =	vst v63  }
0xca: {  	s12 =	sadd.s32 $0x1200, s12;
	s14 =	sadd.s32 $0x7A0, s10;
	s11 =	sor.u32 s11, s13  }
0xcb: {  	[hbm4b:s14+s3] =	stream.linear.scatter [tilespmem:s12], [sflag:$0x1], $0x80, $0x38;
	[tilespmem:$0x1400] =	vst v63  }
0xcc: {  	s16 =	sadd.s32 $0x430, s10;
	s15 =	sor.u32 $0x400, s11  }
0xcd: {  	[hbm4b:s16+s3] =	stream.linear.scatter [tilespmem:s15], [sflag:$0x1], $0x80, $0x38;
	[tilespmem:$0x1400] =	vst v63  }
0xce: {  	s17 =	sor.u32 $0x600, s11;
	s18 =	sadd.s32 $0x4B0, s10  }
0xcf: {  	[hbm4b:s18+s3] =	stream.linear.scatter [tilespmem:s17], [sflag:$0x1], $0x80, $0x38;
	[tilespmem:$0x1400] =	vst v63  }
0xd0: {  	s19 =	spop (v2sf);
	s20 =	sor.u32 $0x800, s11;
	s21 =	sadd.s32 $0x530, s10  }
0xd1: {  	(v2sf) =	vpush v0, $0xD;
	[hbm4b:s21+s3] =	stream.linear.scatter [tilespmem:s20], [sflag:$0x1], $0x80, $0x38;
	[tilespmem:$0x1400] =	vst v63  }
0xd2: {  	s22 =	sshll.u32 s19, $0xA;
	s23 =	sor.u32 $0xA00, s11;
	s24 =	sadd.s32 $0x5B0, s10  }
0xd3: {  	[hbm4b:s24+s3] =	stream.linear.scatter [tilespmem:s23], [sflag:$0x1], $0x80, $0x38;
	[tilespmem:$0x1400] =	vst v63  }
0xd4: {  	s13 =	sand.u32 $0xFFFFF000, s22;
	s25 =	sor.u32 $0xC00, s11;
	s26 =	sadd.s32 $0x630, s10  }
0xd5: {  	[hbm4b:s26+s3] =	stream.linear.scatter [tilespmem:s25], [sflag:$0x1], $0x80, $0x38;
	[tilespmem:$0x1400] =	vst v63  }
0xd6: {  	s28 =	sor.u32 $0xE00, s11;
	s29 =	sadd.s32 $0x6B0, s10;
	s12 =	sshll.u32 s19, $0x7  }
0xd7: {  	[hbm4b:s29+s3] =	stream.linear.scatter [tilespmem:s28], [sflag:$0x1], $0x80, $0x38;
	[tilespmem:$0x1400] =	vst v63  }
0xd8: {  	s30 =	sadd.s32 $0x1000, s11;
	s31 =	sadd.s32 $0x730, s10;
	s12 =	sand.u32 $0x180, s12  }
0xd9: {  	[hbm4b:s31+s3] =	stream.linear.scatter [tilespmem:s30], [sflag:$0x1], $0x80, $0x38;
	[tilespmem:$0x1400] =	vst v63  }
0xda: {  	s11 =	sadd.s32 $0x1200, s11;
	s14 =	sadd.s32 $0x7B0, s10;
	s12 =	sor.u32 s12, s13  }
0xdb: {  	[hbm4b:s14+s3] =	stream.linear.scatter [tilespmem:s11], [sflag:$0x1], $0x80, $0x38;
	[tilespmem:$0x1400] =	vst v63  }
0xdc: {  	s16 =	sadd.s32 $0x440, s10;
	s15 =	sor.u32 $0x400, s12  }
0xdd: {  	[hbm4b:s16+s3] =	stream.linear.scatter [tilespmem:s15], [sflag:$0x1], $0x80, $0x38;
	[tilespmem:$0x1400] =	vst v63  }
0xde: {  	s17 =	sor.u32 $0x600, s12;
	s18 =	sadd.s32 $0x4C0, s10  }
0xdf: {  	[hbm4b:s18+s3] =	stream.linear.scatter [tilespmem:s17], [sflag:$0x1], $0x80, $0x38;
	[tilespmem:$0x1400] =	vst v63  }
0xe0: {  	s19 =	spop (v2sf);
	s20 =	sor.u32 $0x800, s12;
	s21 =	sadd.s32 $0x540, s10  }
0xe1: {  	(v2sf) =	vpush v0, $0xE;
	[hbm4b:s21+s3] =	stream.linear.scatter [tilespmem:s20], [sflag:$0x1], $0x80, $0x38;
	[tilespmem:$0x1400] =	vst v63  }
0xe2: {  	s22 =	sshll.u32 s19, $0xA;
	s23 =	sor.u32 $0xA00, s12;
	s24 =	sadd.s32 $0x5C0, s10  }
0xe3: {  	[hbm4b:s24+s3] =	stream.linear.scatter [tilespmem:s23], [sflag:$0x1], $0x80, $0x38;
	[tilespmem:$0x1400] =	vst v63  }
0xe4: {  	s13 =	sand.u32 $0xFFFFF000, s22;
	s25 =	sor.u32 $0xC00, s12;
	s26 =	sadd.s32 $0x640, s10  }
0xe5: {  	[hbm4b:s26+s3] =	stream.linear.scatter [tilespmem:s25], [sflag:$0x1], $0x80, $0x38;
	[tilespmem:$0x1400] =	vst v63  }
0xe6: {  	s28 =	sor.u32 $0xE00, s12;
	s29 =	sadd.s32 $0x6C0, s10;
	s11 =	sshll.u32 s19, $0x7  }
0xe7: {  	[hbm4b:s29+s3] =	stream.linear.scatter [tilespmem:s28], [sflag:$0x1], $0x80, $0x38;
	[tilespmem:$0x1400] =	vst v63  }
0xe8: {  	s30 =	sadd.s32 $0x1000, s12;
	s31 =	sadd.s32 $0x740, s10;
	s11 =	sand.u32 $0x180, s11  }
0xe9: {  	[hbm4b:s31+s3] =	stream.linear.scatter [tilespmem:s30], [sflag:$0x1], $0x80, $0x38;
	[tilespmem:$0x1400] =	vst v63  }
0xea: {  	s12 =	sadd.s32 $0x1200, s12;
	s11 =	sor.u32 s11, s13;
	s16 =	sadd.s32 $0x7C0, s10  }
0xeb: {  	[hbm4b:s16+s3] =	stream.linear.scatter [tilespmem:s12], [sflag:$0x1], $0x80, $0x38;
	[tilespmem:$0x1400] =	vst v63  }
0xec: {  	s17 =	sor.u32 $0x400, s11;
	s18 =	sadd.s32 $0x450, s10  }
0xed: {  	[hbm4b:s18+s3] =	stream.linear.scatter [tilespmem:s17], [sflag:$0x1], $0x80, $0x38;
	[tilespmem:$0x1400] =	vst v63  }
0xee: {  	s19 =	sor.u32 $0x600, s11;
	s20 =	sadd.s32 $0x4D0, s10  }
0xef: {  	[hbm4b:s20+s3] =	stream.linear.scatter [tilespmem:s19], [sflag:$0x1], $0x80, $0x38;
	[tilespmem:$0x1400] =	vst v63  }
0xf0: {  	s22 =	sor.u32 $0x800, s11;
	s21 =	spop (v2sf);
	s23 =	sadd.s32 $0x550, s10  }
0xf1: {  	(v2sf) =	vpush v0, $0xF;
	[hbm4b:s23+s3] =	stream.linear.scatter [tilespmem:s22], [sflag:$0x1], $0x80, $0x38;
	[tilespmem:$0x1400] =	vst v63  }
0xf2: {  	s24 =	sshll.u32 s21, $0xA;
	s25 =	sor.u32 $0xA00, s11;
	s26 =	sadd.s32 $0x5D0, s10  }
0xf3: {  	[hbm4b:s26+s3] =	stream.linear.scatter [tilespmem:s25], [sflag:$0x1], $0x80, $0x38;
	[tilespmem:$0x1400] =	vst v63  }
0xf4: {  	s13 =	sand.u32 $0xFFFFF000, s24;
	s28 =	sor.u32 $0xC00, s11;
	s29 =	sadd.s32 $0x650, s10  }
0xf5: {  	[hbm4b:s29+s3] =	stream.linear.scatter [tilespmem:s28], [sflag:$0x1], $0x80, $0x38;
	[tilespmem:$0x1400] =	vst v63  }
0xf6: {  	s30 =	sor.u32 $0xE00, s11;
	s31 =	sadd.s32 $0x6D0, s10;
	s12 =	sshll.u32 s21, $0x7  }
0xf7: {  	[hbm4b:s31+s3] =	stream.linear.scatter [tilespmem:s30], [sflag:$0x1], $0x80, $0x38;
	[tilespmem:$0x1400] =	vst v63  }
0xf8: {  	s16 =	sadd.s32 $0x1000, s11;
	s12 =	sand.u32 $0x180, s12;
	s17 =	sadd.s32 $0x750, s10  }
0xf9: {  	[hbm4b:s17+s3] =	stream.linear.scatter [tilespmem:s16], [sflag:$0x1], $0x80, $0x38;
	[tilespmem:$0x1400] =	vst v63  }
0xfa: {  	s11 =	sadd.s32 $0x1200, s11;
	s12 =	sor.u32 s12, s13;
	s18 =	sadd.s32 $0x7D0, s10  }
0xfb: {  	[hbm4b:s18+s3] =	stream.linear.scatter [tilespmem:s11], [sflag:$0x1], $0x80, $0x38;
	[tilespmem:$0x1400] =	vst v63  }
0xfc: {  	s19 =	sor.u32 $0x400, s12;
	s20 =	sadd.s32 $0x460, s10  }
0xfd: {  	[hbm4b:s20+s3] =	stream.linear.scatter [tilespmem:s19], [sflag:$0x1], $0x80, $0x38;
	[tilespmem:$0x1400] =	vst v63  }
0xfe: {  	s21 =	sor.u32 $0x600, s12;
	s24 =	sor.u32 $0x800, s12;
	s22 =	sadd.s32 $0x4E0, s10  }
0xff: {  	[hbm4b:s22+s3] =	stream.linear.scatter [tilespmem:s21], [sflag:$0x1], $0x80, $0x38;
	[tilespmem:$0x1400] =	vst v63  }
0x100: {  	s15 =	sor.u32 $0xE00, s12;
	s23 =	spop (v2sf);
	s25 =	sadd.s32 $0x560, s10  }
0x101: {  	[hbm4b:s25+s3] =	stream.linear.scatter [tilespmem:s24], [sflag:$0x1], $0x80, $0x38;
	[tilespmem:$0x1400] =	vst v63  }
0x102: {  	s26 =	sshll.u32 s23, $0xA;
	s28 =	sor.u32 $0xA00, s12;
	s29 =	sadd.s32 $0x5E0, s10  }
0x103: {  	[hbm4b:s29+s3] =	stream.linear.scatter [tilespmem:s28], [sflag:$0x1], $0x80, $0x38;
	[tilespmem:$0x1400] =	vst v63  }
0x104: {  	s13 =	sand.u32 $0xFFFFF000, s26;
	s30 =	sor.u32 $0xC00, s12;
	s31 =	sadd.s32 $0x660, s10  }
0x105: {  	[hbm4b:s31+s3] =	stream.linear.scatter [tilespmem:s30], [sflag:$0x1], $0x80, $0x38;
	[tilespmem:$0x1400] =	vst v63  }
0x106: {  	s26 =	sadd.s32 $0x570, s10;
	s16 =	sadd.s32 $0x6E0, s10;
	s11 =	sshll.u32 s23, $0x7  }
0x107: {  	[hbm4b:s16+s3] =	stream.linear.scatter [tilespmem:s15], [sflag:$0x1], $0x80, $0x38;
	[tilespmem:$0x1400] =	vst v63  }
0x108: {  	s17 =	sadd.s32 $0x1000, s12;
	s18 =	sadd.s32 $0x760, s10;
	s11 =	sand.u32 $0x180, s11  }
0x109: {  	[hbm4b:s18+s3] =	stream.linear.scatter [tilespmem:s17], [sflag:$0x1], $0x80, $0x38;
	[tilespmem:$0x1400] =	vst v63  }
0x10a: {  	s14 =	sor.u32 s11, s13;
	s19 =	sadd.s32 $0x1200, s12;
	s20 =	sadd.s32 $0x7E0, s10  }
0x10b: {  	[hbm4b:s20+s3] =	stream.linear.scatter [tilespmem:s19], [sflag:$0x1], $0x80, $0x38;
	[tilespmem:$0x1400] =	vst v63  }
0x10c: {  	s11 =	simm.s32 $0x800;
	s21 =	sor.u32 $0x400, s14;
	s22 =	sadd.s32 $0x470, s10  }
0x10d: {  	[hbm4b:s22+s3] =	stream.linear.scatter [tilespmem:s21], [sflag:$0x1], $0x80, $0x38;
	[tilespmem:$0x1400] =	vst v63  }
0x10e: {  	s13 =	sadd.s32 $0x770, s10;
	s23 =	sor.u32 $0x600, s14;
	s24 =	sadd.s32 $0x4F0, s10  }
0x10f: {  	[hbm4b:s24+s3] =	stream.linear.scatter [tilespmem:s23], [sflag:$0x1], $0x80, $0x38;
	[tilespmem:$0x1400] =	vst v63  }
0x110: {  	s12 =	simm.s32 $0x10;
	s25 =	sor.u32 $0x800, s14;
	s28 =	sor.u32 $0xA00, s14  }
0x111: {  	[hbm4b:s26+s3] =	stream.linear.scatter [tilespmem:s25], [sflag:$0x1], $0x80, $0x38;
	[tilespmem:$0x1400] =	vst v63  }
0x112: {  	s29 =	sadd.s32 $0x5F0, s10;
	s30 =	sor.u32 $0xC00, s14;
	s31 =	sadd.s32 $0x670, s10  }
0x113: {  	[hbm4b:s29+s3] =	stream.linear.scatter [tilespmem:s28], [sflag:$0x1], $0x80, $0x38;
	[tilespmem:$0x1400] =	vst v63  }
0x114: {  	s15 =	sadd.s32 $0x1000, s14;
	s16 =	sor.u32 $0xE00, s14;
	s17 =	sadd.s32 $0x6F0, s10  }
0x115: {  	[hbm4b:s31+s3] =	stream.linear.scatter [tilespmem:s30], [sflag:$0x1], $0x80, $0x38;
	[tilespmem:$0x1400] =	vst v63  }
.LBB2_2:
0x116: {  	[hbm4b:s17+s3] =	stream.linear.scatter [tilespmem:s16], [sflag:$0x1], $0x80, $0x38;
	[tilespmem:$0x1400] =	vst v63  }
0x117: {  	_ = 	snop  }
0x118: {  	[hbm4b:s13+s3] =	stream.linear.scatter [tilespmem:s15], [sflag:$0x1], $0x80, $0x38;
	[tilespmem:$0x1400] =	vst v63  }
0x119: {  	s14 =	sadd.s32 $0x1200, s14;
	s10 =	sadd.s32 $0x7F0, s10  }
0x11a: {  	[hbm4b:s10+s3] =	stream.linear.scatter [tilespmem:s14], [sflag:$0x1], $0x80, $0x38;
	[tilespmem:$0x1400] =	vst v63  }
0x11b: {  	v0 =	vld [tilespmem:s12+$0x0];
	_ =	sdelay $0x4  }
0x11c: {  	(v2sf) =	vpush v0, $0x0;
	_ =	sdelay $0x1  }
0x11d: {  	(v2sf) =	vpush v0, $0x1;
	_ =	sdelay $0x1  }
0x11e: {  	(v2sf) =	vpush v0, $0x2;
	_ =	sdelay $0x8  }
0x11f: {  	s23 =	smov.u32 s11;
	s24 =	rddreg [dreg:$0x4]  }
0x120: {  	s10 =	sadd.s32 s23, s24  }
0x121: {  	s18 =	sadd.s32 $0x80, s10;
	s20 =	sadd.s32 $0x100, s10;
	s25 =	spop (v2sf)  }
0x122: {  	s23 =	sadd.s32 $0x180, s10;
	s26 =	sshll.u32 s25, $0xA;
	s14 =	sshll.u32 s25, $0x7  }
0x123: {  	s28 =	spop (v2sf);
	s25 =	sadd.s32 $0x200, s10;
	s15 =	sand.u32 $0xFFFFF000, s26  }
0x124: {  	s14 =	sand.u32 $0x180, s14;
	s29 =	sshll.u32 s28, $0xA;
	s16 =	sshll.u32 s28, $0x7  }
0x125: {  	(v2sf) =	vpush v0, $0x3;
	s21 =	spop (v2sf);
	s28 =	sadd.s32 $0x280, s10;
	s14 =	sor.u32 s14, s15  }
0x126: {  	s30 =	sand.u32 $0xFFFFF000, s29;
	s16 =	sand.u32 $0x180, s16;
	s31 =	sor.u32 $0x400, s14  }
0x127: {  	[hbm4b:s10+s3] =	stream.linear.scatter [tilespmem:s31], [sflag:$0x1], $0x80, $0x38;
	[tilespmem:$0x1400] =	vst v63  }
0x128: {  	s17 =	sor.u32 $0x600, s14;
	s15 =	sor.u32 s16, s30;
	s19 =	sor.u32 $0x800, s14  }
0x129: {  	[hbm4b:s18+s3] =	stream.linear.scatter [tilespmem:s17], [sflag:$0x1], $0x80, $0x38;
	[tilespmem:$0x1400] =	vst v63  }
0x12a: {  	s22 =	sor.u32 $0xA00, s14;
	s24 =	sor.u32 $0xC00, s14;
	s26 =	sor.u32 $0xE00, s14  }
0x12b: {  	[hbm4b:s20+s3] =	stream.linear.scatter [tilespmem:s19], [sflag:$0x1], $0x80, $0x38;
	[tilespmem:$0x1400] =	vst v63  }
0x12c: {  	s29 =	sadd.s32 $0x1000, s14;
	s30 =	sadd.s32 $0x300, s10;
	s14 =	sadd.s32 $0x1200, s14  }
0x12d: {  	(v2sf) =	vpush v0, $0x4;
	[hbm4b:s23+s3] =	stream.linear.scatter [tilespmem:s22], [sflag:$0x1], $0x80, $0x38;
	[tilespmem:$0x1400] =	vst v63  }
0x12e: {  	s31 =	sadd.s32 $0x380, s10;
	s18 =	sshll.u32 s21, $0xA;
	s17 =	sshll.u32 s21, $0x7  }
0x12f: {  	[hbm4b:s25+s3] =	stream.linear.scatter [tilespmem:s24], [sflag:$0x1], $0x80, $0x38;
	[tilespmem:$0x1400] =	vst v63  }
0x130: {  	s21 =	sor.u32 $0x600, s15;
	s18 =	sand.u32 $0xFFFFF000, s18;
	s17 =	sand.u32 $0x180, s17  }
0x131: {  	[hbm4b:s28+s3] =	stream.linear.scatter [tilespmem:s26], [sflag:$0x1], $0x80, $0x38;
	[tilespmem:$0x1400] =	vst v63  }
0x132: {  	s13 =	sor.u32 s17, s18;
	s18 =	sor.u32 $0x400, s15;
	s19 =	sadd.s32 $0x10, s10  }
0x133: {  	[hbm4b:s30+s3] =	stream.linear.scatter [tilespmem:s29], [sflag:$0x1], $0x80, $0x38;
	[tilespmem:$0x1400] =	vst v63  }
0x134: {  	s22 =	sadd.s32 $0x90, s10;
	s24 =	sor.u32 $0x800, s15;
	s20 =	spop (v2sf)  }
0x135: {  	(v2sf) =	vpush v0, $0x5;
	[hbm4b:s31+s3] =	stream.linear.scatter [tilespmem:s14], [sflag:$0x1], $0x80, $0x38;
	[tilespmem:$0x1400] =	vst v63  }
0x136: {  	s25 =	sadd.s32 $0x110, s10;
	s26 =	sor.u32 $0xA00, s15;
	s28 =	sadd.s32 $0x190, s10  }
0x137: {  	[hbm4b:s19+s3] =	stream.linear.scatter [tilespmem:s18], [sflag:$0x1], $0x80, $0x38;
	[tilespmem:$0x1400] =	vst v63  }
0x138: {  	s23 =	sshll.u32 s20, $0xA;
	s17 =	sshll.u32 s20, $0x7;
	s29 =	sor.u32 $0xC00, s15  }
0x139: {  	[hbm4b:s22+s3] =	stream.linear.scatter [tilespmem:s21], [sflag:$0x1], $0x80, $0x38;
	[tilespmem:$0x1400] =	vst v63  }
0x13a: {  	s30 =	sadd.s32 $0x210, s10;
	s17 =	sand.u32 $0x180, s17;
	s31 =	sor.u32 $0xE00, s15  }
0x13b: {  	[hbm4b:s25+s3] =	stream.linear.scatter [tilespmem:s24], [sflag:$0x1], $0x80, $0x38;
	[tilespmem:$0x1400] =	vst v63  }
0x13c: {  	s18 =	sand.u32 $0xFFFFF000, s23;
	s19 =	sadd.s32 $0x290, s10;
	s22 =	spop (v2sf)  }
0x13d: {  	[hbm4b:s28+s3] =	stream.linear.scatter [tilespmem:s26], [sflag:$0x1], $0x80, $0x38;
	[tilespmem:$0x1400] =	vst v63  }
0x13e: {  	s23 =	sadd.s32 $0x390, s10;
	s14 =	sor.u32 s17, s18;
	s20 =	sshll.u32 s22, $0xA  }
0x13f: {  	[hbm4b:s30+s3] =	stream.linear.scatter [tilespmem:s29], [sflag:$0x1], $0x80, $0x38;
	[tilespmem:$0x1400] =	vst v63  }
0x140: {  	s21 =	sadd.s32 $0x310, s10;
	s24 =	sand.u32 $0xFFFFF000, s20;
	s25 =	sshll.u32 s22, $0x7  }
0x141: {  	[hbm4b:s19+s3] =	stream.linear.scatter [tilespmem:s31], [sflag:$0x1], $0x80, $0x38;
	[tilespmem:$0x1400] =	vst v63  }
0x142: {  	s20 =	sor.u32 $0x800, s13;
	s17 =	sand.u32 $0x180, s25;
	s19 =	sadd.s32 $0x1000, s15  }
0x143: {  	[hbm4b:s21+s3] =	stream.linear.scatter [tilespmem:s19], [sflag:$0x1], $0x80, $0x38;
	[tilespmem:$0x1400] =	vst v63  }
0x144: {  	s25 =	sor.u32 $0xC00, s13;
	s15 =	sadd.s32 $0x1200, s15;
	s26 =	spop (v2sf)  }
0x145: {  	(v2sf) =	vpush v0, $0x6;
	[hbm4b:s23+s3] =	stream.linear.scatter [tilespmem:s15], [sflag:$0x1], $0x80, $0x38;
	[tilespmem:$0x1400] =	vst v63  }
0x146: {  	s28 =	sor.u32 $0x400, s13;
	s17 =	sor.u32 s17, s24;
	s29 =	sadd.s32 $0x20, s10  }
0x147: {  	(v2sf) =	vpush v0, $0x7;
	[hbm4b:s29+s3] =	stream.linear.scatter [tilespmem:s28], [sflag:$0x1], $0x80, $0x38;
	[tilespmem:$0x1400] =	vst v63  }
0x148: {  	s24 =	sadd.s32 $0x1A0, s10;
	s30 =	sor.u32 $0x600, s13;
	s31 =	sadd.s32 $0xA0, s10  }
0x149: {  	[hbm4b:s31+s3] =	stream.linear.scatter [tilespmem:s30], [sflag:$0x1], $0x80, $0x38;
	[tilespmem:$0x1400] =	vst v63  }
0x14a: {  	s22 =	sshll.u32 s26, $0xA;
	s18 =	sshll.u32 s26, $0x7;
	s21 =	sadd.s32 $0x120, s10  }
0x14b: {  	[hbm4b:s21+s3] =	stream.linear.scatter [tilespmem:s20], [sflag:$0x1], $0x80, $0x38;
	[tilespmem:$0x1400] =	vst v63  }
0x14c: {  	s19 =	sand.u32 $0xFFFFF000, s22;
	s18 =	sand.u32 $0x180, s18;
	s23 =	sor.u32 $0xA00, s13  }
0x14d: {  	[hbm4b:s24+s3] =	stream.linear.scatter [tilespmem:s23], [sflag:$0x1], $0x80, $0x38;
	[tilespmem:$0x1400] =	vst v63  }
0x14e: {  	s26 =	sadd.s32 $0x220, s10;
	s22 =	sadd.s32 $0x30, s10;
	s16 =	sor.u32 s18, s19  }
0x14f: {  	[hbm4b:s26+s3] =	stream.linear.scatter [tilespmem:s25], [sflag:$0x1], $0x80, $0x38;
	[tilespmem:$0x1400] =	vst v63  }
0x150: {  	s19 =	sadd.s32 $0x3A0, s10;
	s28 =	sor.u32 $0xE00, s13;
	s29 =	sadd.s32 $0x2A0, s10  }
0x151: {  	[hbm4b:s29+s3] =	stream.linear.scatter [tilespmem:s28], [sflag:$0x1], $0x80, $0x38;
	[tilespmem:$0x1400] =	vst v63  }
0x152: {  	s30 =	sadd.s32 $0x1000, s13;
	s31 =	sadd.s32 $0x320, s10;
	s13 =	sadd.s32 $0x1200, s13  }
0x153: {  	[hbm4b:s31+s3] =	stream.linear.scatter [tilespmem:s30], [sflag:$0x1], $0x80, $0x38;
	[tilespmem:$0x1400] =	vst v63  }
0x154: {  	s21 =	sor.u32 $0x400, s14;
	s23 =	sor.u32 $0x600, s14;
	s20 =	spop (v2sf)  }
0x155: {  	[hbm4b:s19+s3] =	stream.linear.scatter [tilespmem:s13], [sflag:$0x1], $0x80, $0x38;
	[tilespmem:$0x1400] =	vst v63  }
0x156: {  	s24 =	sadd.s32 $0xB0, s10;
	s26 =	sor.u32 $0xA00, s14;
	s25 =	spop (v2sf)  }
0x157: {  	[hbm4b:s22+s3] =	stream.linear.scatter [tilespmem:s21], [sflag:$0x1], $0x80, $0x38;
	[tilespmem:$0x1400] =	vst v63  }
0x158: {  	s18 =	sshll.u32 s20, $0x7;
	s28 =	sadd.s32 $0x1B0, s10;
	s29 =	sshll.u32 s25, $0xA  }
0x159: {  	(v2sf) =	vpush v0, $0x8;
	[hbm4b:s24+s3] =	stream.linear.scatter [tilespmem:s23], [sflag:$0x1], $0x80, $0x38;
	[tilespmem:$0x1400] =	vst v63  }
0x15a: {  	s15 =	sshll.u32 s25, $0x7;
	s21 =	sor.u32 $0x800, s14;
	s22 =	sadd.s32 $0x130, s10  }
0x15b: {  	[hbm4b:s22+s3] =	stream.linear.scatter [tilespmem:s21], [sflag:$0x1], $0x80, $0x38;
	[tilespmem:$0x1400] =	vst v63  }
0x15c: {  	s25 =	sadd.s32 $0x1000, s14;
	s30 =	sor.u32 $0xC00, s14;
	s31 =	sadd.s32 $0x230, s10  }
0x15d: {  	[hbm4b:s28+s3] =	stream.linear.scatter [tilespmem:s26], [sflag:$0x1], $0x80, $0x38;
	[tilespmem:$0x1400] =	vst v63  }
0x15e: {  	s15 =	sand.u32 $0x180, s15;
	s19 =	sshll.u32 s20, $0xA;
	s20 =	sand.u32 $0x180, s18  }
0x15f: {  	[hbm4b:s31+s3] =	stream.linear.scatter [tilespmem:s30], [sflag:$0x1], $0x80, $0x38;
	[tilespmem:$0x1400] =	vst v63  }
0x160: {  	s19 =	sand.u32 $0xFFFFF000, s19;
	s23 =	sor.u32 $0xE00, s14;
	s24 =	sadd.s32 $0x2B0, s10  }
0x161: {  	[hbm4b:s24+s3] =	stream.linear.scatter [tilespmem:s23], [sflag:$0x1], $0x80, $0x38;
	[tilespmem:$0x1400] =	vst v63  }
0x162: {  	s18 =	sor.u32 $0x600, s17;
	s19 =	sor.u32 s20, s19;
	s26 =	sadd.s32 $0x330, s10  }
0x163: {  	[hbm4b:s26+s3] =	stream.linear.scatter [tilespmem:s25], [sflag:$0x1], $0x80, $0x38;
	[tilespmem:$0x1400] =	vst v63  }
0x164: {  	s20 =	sor.u32 $0x400, s19;
	s14 =	sadd.s32 $0x1200, s14;
	s28 =	sadd.s32 $0x3B0, s10  }
0x165: {  	(v2sf) =	vpush v0, $0x9;
	[hbm4b:s28+s3] =	stream.linear.scatter [tilespmem:s14], [sflag:$0x1], $0x80, $0x38;
	[tilespmem:$0x1400] =	vst v63  }
0x166: {  	s22 =	sand.u32 $0xFFFFF000, s29;
	s29 =	sor.u32 $0x400, s17;
	s30 =	sadd.s32 $0x40, s10  }
0x167: {  	[hbm4b:s30+s3] =	stream.linear.scatter [tilespmem:s29], [sflag:$0x1], $0x80, $0x38;
	[tilespmem:$0x1400] =	vst v63  }
0x168: {  	s15 =	sor.u32 s15, s22;
	s22 =	sadd.s32 $0xC0, s10;
	s31 =	spop (v2sf)  }
0x169: {  	[hbm4b:s22+s3] =	stream.linear.scatter [tilespmem:s18], [sflag:$0x1], $0x80, $0x38;
	[tilespmem:$0x1400] =	vst v63  }
0x16a: {  	s21 =	sshll.u32 s31, $0x7;
	s24 =	sor.u32 $0x800, s17;
	s25 =	sadd.s32 $0x140, s10  }
0x16b: {  	[hbm4b:s25+s3] =	stream.linear.scatter [tilespmem:s24], [sflag:$0x1], $0x80, $0x38;
	[tilespmem:$0x1400] =	vst v63  }
0x16c: {  	s23 =	sshll.u32 s31, $0xA;
	s26 =	sor.u32 $0xA00, s17;
	s28 =	sadd.s32 $0x1C0, s10  }
0x16d: {  	[hbm4b:s28+s3] =	stream.linear.scatter [tilespmem:s26], [sflag:$0x1], $0x80, $0x38;
	[tilespmem:$0x1400] =	vst v63  }
0x16e: {  	s21 =	sand.u32 $0x180, s21;
	s29 =	sor.u32 $0xC00, s17;
	s30 =	sadd.s32 $0x240, s10  }
0x16f: {  	[hbm4b:s30+s3] =	stream.linear.scatter [tilespmem:s29], [sflag:$0x1], $0x80, $0x38;
	[tilespmem:$0x1400] =	vst v63  }
0x170: {  	s31 =	sor.u32 $0xE00, s17;
	s22 =	sand.u32 $0xFFFFF000, s23;
	s23 =	sadd.s32 $0x2C0, s10  }
0x171: {  	(v2sf) =	vpush v0, $0xA;
	[hbm4b:s23+s3] =	stream.linear.scatter [tilespmem:s31], [sflag:$0x1], $0x80, $0x38;
	[tilespmem:$0x1400] =	vst v63  }
0x172: {  	s14 =	sor.u32 s21, s22;
	s22 =	sadd.s32 $0x1000, s17;
	s23 =	sadd.s32 $0x340, s10  }
0x173: {  	[hbm4b:s23+s3] =	stream.linear.scatter [tilespmem:s22], [sflag:$0x1], $0x80, $0x38;
	[tilespmem:$0x1400] =	vst v63  }
0x174: {  	s17 =	sadd.s32 $0x1200, s17;
	s24 =	spop (v2sf);
	s25 =	sadd.s32 $0x3C0, s10  }
0x175: {  	[hbm4b:s25+s3] =	stream.linear.scatter [tilespmem:s17], [sflag:$0x1], $0x80, $0x38;
	[tilespmem:$0x1400] =	vst v63  }
0x176: {  	s26 =	sshll.u32 s24, $0xA;
	s28 =	sor.u32 $0x400, s16;
	s29 =	sadd.s32 $0x50, s10  }
0x177: {  	[hbm4b:s29+s3] =	stream.linear.scatter [tilespmem:s28], [sflag:$0x1], $0x80, $0x38;
	[tilespmem:$0x1400] =	vst v63  }
0x178: {  	s21 =	sand.u32 $0xFFFFF000, s26;
	s30 =	sor.u32 $0x600, s16;
	s31 =	sadd.s32 $0xD0, s10  }
0x179: {  	[hbm4b:s31+s3] =	stream.linear.scatter [tilespmem:s30], [sflag:$0x1], $0x80, $0x38;
	[tilespmem:$0x1400] =	vst v63  }
0x17a: {  	s22 =	sshll.u32 s24, $0x7;
	s23 =	sor.u32 $0x800, s16;
	s24 =	sadd.s32 $0x150, s10  }
0x17b: {  	[hbm4b:s24+s3] =	stream.linear.scatter [tilespmem:s23], [sflag:$0x1], $0x80, $0x38;
	[tilespmem:$0x1400] =	vst v63  }
0x17c: {  	s26 =	sadd.s32 $0x1D0, s10;
	s22 =	sand.u32 $0x180, s22;
	s25 =	sor.u32 $0xA00, s16  }
0x17d: {  	[hbm4b:s26+s3] =	stream.linear.scatter [tilespmem:s25], [sflag:$0x1], $0x80, $0x38;
	[tilespmem:$0x1400] =	vst v63  }
0x17e: {  	s18 =	sor.u32 s22, s21;
	s28 =	sor.u32 $0xC00, s16;
	s29 =	sadd.s32 $0x250, s10  }
0x17f: {  	[hbm4b:s29+s3] =	stream.linear.scatter [tilespmem:s28], [sflag:$0x1], $0x80, $0x38;
	[tilespmem:$0x1400] =	vst v63  }
0x180: {  	s22 =	spop (v2sf);
	s30 =	sor.u32 $0xE00, s16;
	s31 =	sadd.s32 $0x2D0, s10  }
0x181: {  	(v2sf) =	vpush v0, $0xB;
	[hbm4b:s31+s3] =	stream.linear.scatter [tilespmem:s30], [sflag:$0x1], $0x80, $0x38;
	[tilespmem:$0x1400] =	vst v63  }
0x182: {  	s21 =	sadd.s32 $0x1000, s16;
	s16 =	sadd.s32 $0x1200, s16;
	s23 =	sadd.s32 $0x350, s10  }
0x183: {  	[hbm4b:s23+s3] =	stream.linear.scatter [tilespmem:s21], [sflag:$0x1], $0x80, $0x38;
	[tilespmem:$0x1400] =	vst v63  }
0x184: {  	s24 =	sadd.s32 $0x3D0, s10;
	s25 =	sadd.s32 $0x60, s10;
	s26 =	sor.u32 $0x600, s19  }
0x185: {  	[hbm4b:s24+s3] =	stream.linear.scatter [tilespmem:s16], [sflag:$0x1], $0x80, $0x38;
	[tilespmem:$0x1400] =	vst v63  }
0x186: {  	s28 =	sadd.s32 $0xE0, s10;
	s31 =	sshll.u32 s22, $0xA;
	s22 =	sshll.u32 s22, $0x7  }
0x187: {  	[hbm4b:s25+s3] =	stream.linear.scatter [tilespmem:s20], [sflag:$0x1], $0x80, $0x38;
	[tilespmem:$0x1400] =	vst v63  }
0x188: {  	s29 =	sor.u32 $0x800, s19;
	s30 =	sadd.s32 $0x160, s10;
	s22 =	sand.u32 $0x180, s22  }
0x189: {  	(v2sf) =	vpush v0, $0xC;
	[hbm4b:s28+s3] =	stream.linear.scatter [tilespmem:s26], [sflag:$0x1], $0x80, $0x38;
	[tilespmem:$0x1400] =	vst v63  }
0x18a: {  	s21 =	sor.u32 $0xA00, s19;
	s23 =	sand.u32 $0xFFFFF000, s31;
	s31 =	sadd.s32 $0x360, s10  }
0x18b: {  	[hbm4b:s30+s3] =	stream.linear.scatter [tilespmem:s29], [sflag:$0x1], $0x80, $0x38;
	[tilespmem:$0x1400] =	vst v63  }
0x18c: {  	s22 =	sor.u32 s22, s23;
	s23 =	sadd.s32 $0x1200, s19;
	s24 =	sadd.s32 $0x1E0, s10  }
0x18d: {  	[hbm4b:s24+s3] =	stream.linear.scatter [tilespmem:s21], [sflag:$0x1], $0x80, $0x38;
	[tilespmem:$0x1400] =	vst v63  }
0x18e: {  	s25 =	sor.u32 $0xC00, s19;
	s20 =	sor.u32 $0x600, s15;
	s26 =	sadd.s32 $0x260, s10  }
0x18f: {  	[hbm4b:s26+s3] =	stream.linear.scatter [tilespmem:s25], [sflag:$0x1], $0x80, $0x38;
	[tilespmem:$0x1400] =	vst v63  }
0x190: {  	s28 =	sor.u32 $0xE00, s19;
	s29 =	sadd.s32 $0x2E0, s10;
	s26 =	spop (v2sf)  }
0x191: {  	[hbm4b:s29+s3] =	stream.linear.scatter [tilespmem:s28], [sflag:$0x1], $0x80, $0x38;
	[tilespmem:$0x1400] =	vst v63  }
0x192: {  	s30 =	sadd.s32 $0x1000, s19;
	s25 =	sadd.s32 $0x3E0, s10;
	s24 =	sshll.u32 s26, $0xA  }
0x193: {  	[hbm4b:s31+s3] =	stream.linear.scatter [tilespmem:s30], [sflag:$0x1], $0x80, $0x38;
	[tilespmem:$0x1400] =	vst v63  }
0x194: {  	s21 =	sshll.u32 s26, $0x7;
	s26 =	sadd.s32 $0x170, s10;
	s28 =	sadd.s32 $0x70, s10  }
0x195: {  	(v2sf) =	vpush v0, $0xD;
	[hbm4b:s25+s3] =	stream.linear.scatter [tilespmem:s23], [sflag:$0x1], $0x80, $0x38;
	[tilespmem:$0x1400] =	vst v63  }
0x196: {  	s29 =	sor.u32 $0x400, s15;
	s21 =	sand.u32 $0x180, s21;
	s30 =	sand.u32 $0xFFFFF000, s24  }
0x197: {  	[hbm4b:s28+s3] =	stream.linear.scatter [tilespmem:s29], [sflag:$0x1], $0x80, $0x38;
	[tilespmem:$0x1400] =	vst v63  }
0x198: {  	s31 =	spop (v2sf);
	s19 =	sor.u32 s21, s30;
	s21 =	sadd.s32 $0xF0, s10  }
0x199: {  	[hbm4b:s21+s3] =	stream.linear.scatter [tilespmem:s20], [sflag:$0x1], $0x80, $0x38;
	[tilespmem:$0x1400] =	vst v63  }
0x19a: {  	s24 =	sadd.s32 $0x400, s10;
	s17 =	sshll.u32 s31, $0x7;
	s25 =	sor.u32 $0x800, s15  }
0x19b: {  	[hbm4b:s26+s3] =	stream.linear.scatter [tilespmem:s25], [sflag:$0x1], $0x80, $0x38;
	[tilespmem:$0x1400] =	vst v63  }
0x19c: {  	s30 =	sor.u32 $0xC00, s15;
	s28 =	sor.u32 $0xA00, s15;
	s29 =	sadd.s32 $0x1F0, s10  }
0x19d: {  	(v2sf) =	vpush v0, $0xE;
	[hbm4b:s29+s3] =	stream.linear.scatter [tilespmem:s28], [sflag:$0x1], $0x80, $0x38;
	[tilespmem:$0x1400] =	vst v63  }
0x19e: {  	s23 =	sshll.u32 s31, $0xA;
	s31 =	sadd.s32 $0x270, s10;
	s17 =	sand.u32 $0x180, s17  }
0x19f: {  	[hbm4b:s31+s3] =	stream.linear.scatter [tilespmem:s30], [sflag:$0x1], $0x80, $0x38;
	[tilespmem:$0x1400] =	vst v63  }
0x1a0: {  	s21 =	sand.u32 $0xFFFFF000, s23;
	s20 =	sor.u32 $0xE00, s15;
	s23 =	sadd.s32 $0x2F0, s10  }
0x1a1: {  	[hbm4b:s23+s3] =	stream.linear.scatter [tilespmem:s20], [sflag:$0x1], $0x80, $0x38;
	[tilespmem:$0x1400] =	vst v63  }
0x1a2: {  	s17 =	sor.u32 s17, s21;
	s25 =	sadd.s32 $0x1000, s15;
	s26 =	sadd.s32 $0x370, s10  }
0x1a3: {  	[hbm4b:s26+s3] =	stream.linear.scatter [tilespmem:s25], [sflag:$0x1], $0x80, $0x38;
	[tilespmem:$0x1400] =	vst v63  }
0x1a4: {  	s15 =	sadd.s32 $0x1200, s15;
	s29 =	sadd.s32 $0x3F0, s10;
	s28 =	spop (v2sf)  }
0x1a5: {  	[hbm4b:s29+s3] =	stream.linear.scatter [tilespmem:s15], [sflag:$0x1], $0x80, $0x38;
	[tilespmem:$0x1400] =	vst v63  }
0x1a6: {  	s30 =	sshll.u32 s28, $0xA;
	s31 =	sor.u32 $0x400, s14;
	s21 =	sshll.u32 s28, $0x7  }
0x1a7: {  	(v2sf) =	vpush v0, $0xF;
	[hbm4b:s24+s3] =	stream.linear.scatter [tilespmem:s31], [sflag:$0x1], $0x80, $0x38;
	[tilespmem:$0x1400] =	vst v63  }
0x1a8: {  	s28 =	sor.u32 $0x800, s14;
	s25 =	sadd.s32 $0x480, s10;
	s24 =	sor.u32 $0x600, s14  }
0x1a9: {  	[hbm4b:s25+s3] =	stream.linear.scatter [tilespmem:s24], [sflag:$0x1], $0x80, $0x38;
	[tilespmem:$0x1400] =	vst v63  }
0x1aa: {  	s20 =	sand.u32 $0xFFFFF000, s30;
	s30 =	sor.u32 $0xA00, s14;
	s29 =	sadd.s32 $0x500, s10  }
0x1ab: {  	[hbm4b:s29+s3] =	stream.linear.scatter [tilespmem:s28], [sflag:$0x1], $0x80, $0x38;
	[tilespmem:$0x1400] =	vst v63  }
0x1ac: {  	s23 =	sor.u32 $0xC00, s14;
	s15 =	spop (v2sf);
	s31 =	sadd.s32 $0x580, s10  }
0x1ad: {  	[hbm4b:s31+s3] =	stream.linear.scatter [tilespmem:s30], [sflag:$0x1], $0x80, $0x38;
	[tilespmem:$0x1400] =	vst v63  }
0x1ae: {  	s26 =	sshll.u32 s15, $0xA;
	s15 =	sshll.u32 s15, $0x7;
	s25 =	sadd.s32 $0x600, s10  }
0x1af: {  	[hbm4b:s25+s3] =	stream.linear.scatter [tilespmem:s23], [sflag:$0x1], $0x80, $0x38;
	[tilespmem:$0x1400] =	vst v63  }
0x1b0: {  	s24 =	sand.u32 $0xFFFFF000, s26;
	s26 =	sor.u32 $0xE00, s14;
	s25 =	sadd.s32 $0x680, s10  }
0x1b1: {  	[hbm4b:s25+s3] =	stream.linear.scatter [tilespmem:s26], [sflag:$0x1], $0x80, $0x38;
	[tilespmem:$0x1400] =	vst v63  }
0x1b2: {  	s15 =	sand.u32 $0x180, s15;
	s28 =	sadd.s32 $0x1000, s14;
	s29 =	sadd.s32 $0x700, s10  }
0x1b3: {  	[hbm4b:s29+s3] =	stream.linear.scatter [tilespmem:s28], [sflag:$0x1], $0x80, $0x38;
	[tilespmem:$0x1400] =	vst v63  }
0x1b4: {  	s16 =	sor.u32 s15, s24;
	s14 =	sadd.s32 $0x1200, s14;
	s30 =	sadd.s32 $0x780, s10  }
0x1b5: {  	[hbm4b:s30+s3] =	stream.linear.scatter [tilespmem:s14], [sflag:$0x1], $0x80, $0x38;
	[tilespmem:$0x1400] =	vst v63  }
0x1b6: {  	s24 =	spop (v2sf);
	s25 =	sor.u32 $0x400, s18;
	s26 =	sadd.s32 $0x410, s10  }
0x1b7: {  	[hbm4b:s26+s3] =	stream.linear.scatter [tilespmem:s25], [sflag:$0x1], $0x80, $0x38;
	[tilespmem:$0x1400] =	vst v63  }
0x1b8: {  	s31 =	sshll.u32 s24, $0xA;
	s28 =	sor.u32 $0x600, s18;
	s29 =	sadd.s32 $0x490, s10  }
0x1b9: {  	[hbm4b:s29+s3] =	stream.linear.scatter [tilespmem:s28], [sflag:$0x1], $0x80, $0x38;
	[tilespmem:$0x1400] =	vst v63  }
0x1ba: {  	s23 =	sand.u32 $0xFFFFF000, s31;
	s31 =	sadd.s32 $0x510, s10;
	s30 =	sor.u32 $0x800, s18  }
0x1bb: {  	[hbm4b:s31+s3] =	stream.linear.scatter [tilespmem:s30], [sflag:$0x1], $0x80, $0x38;
	[tilespmem:$0x1400] =	vst v63  }
0x1bc: {  	s25 =	sor.u32 $0xA00, s18;
	s26 =	sadd.s32 $0x590, s10  }
0x1bd: {  	[hbm4b:s26+s3] =	stream.linear.scatter [tilespmem:s25], [sflag:$0x1], $0x80, $0x38;
	[tilespmem:$0x1400] =	vst v63  }
0x1be: {  	s24 =	sshll.u32 s24, $0x7;
	s28 =	sor.u32 $0xC00, s18;
	s29 =	sadd.s32 $0x610, s10  }
0x1bf: {  	[hbm4b:s29+s3] =	stream.linear.scatter [tilespmem:s28], [sflag:$0x1], $0x80, $0x38;
	[tilespmem:$0x1400] =	vst v63  }
0x1c0: {  	s24 =	sand.u32 $0x180, s24;
	s30 =	sor.u32 $0xE00, s18;
	s31 =	sadd.s32 $0x690, s10  }
0x1c1: {  	[hbm4b:s31+s3] =	stream.linear.scatter [tilespmem:s30], [sflag:$0x1], $0x80, $0x38;
	[tilespmem:$0x1400] =	vst v63  }
0x1c2: {  	s14 =	sor.u32 s24, s23;
	s24 =	sadd.s32 $0x1000, s18;
	s25 =	sadd.s32 $0x710, s10  }
0x1c3: {  	[hbm4b:s25+s3] =	stream.linear.scatter [tilespmem:s24], [sflag:$0x1], $0x80, $0x38;
	[tilespmem:$0x1400] =	vst v63  }
0x1c4: {  	s18 =	sadd.s32 $0x1200, s18;
	s26 =	sadd.s32 $0x790, s10  }
0x1c5: {  	[hbm4b:s26+s3] =	stream.linear.scatter [tilespmem:s18], [sflag:$0x1], $0x80, $0x38;
	[tilespmem:$0x1400] =	vst v63  }
0x1c6: {  	s28 =	sor.u32 $0x400, s22;
	s29 =	sadd.s32 $0x420, s10  }
0x1c7: {  	[hbm4b:s29+s3] =	stream.linear.scatter [tilespmem:s28], [sflag:$0x1], $0x80, $0x38;
	[tilespmem:$0x1400] =	vst v63  }
0x1c8: {  	s30 =	sor.u32 $0x600, s22;
	s31 =	sadd.s32 $0x4A0, s10  }
0x1c9: {  	[hbm4b:s31+s3] =	stream.linear.scatter [tilespmem:s30], [sflag:$0x1], $0x80, $0x38;
	[tilespmem:$0x1400] =	vst v63  }
0x1ca: {  	s23 =	sor.u32 $0x800, s22;
	s24 =	sadd.s32 $0x520, s10  }
0x1cb: {  	[hbm4b:s24+s3] =	stream.linear.scatter [tilespmem:s23], [sflag:$0x1], $0x80, $0x38;
	[tilespmem:$0x1400] =	vst v63  }
0x1cc: {  	s25 =	sor.u32 $0xA00, s22;
	s26 =	sadd.s32 $0x5A0, s10  }
0x1cd: {  	[hbm4b:s26+s3] =	stream.linear.scatter [tilespmem:s25], [sflag:$0x1], $0x80, $0x38;
	[tilespmem:$0x1400] =	vst v63  }
0x1ce: {  	s28 =	sor.u32 $0xC00, s22;
	s29 =	sadd.s32 $0x620, s10  }
0x1cf: {  	[hbm4b:s29+s3] =	stream.linear.scatter [tilespmem:s28], [sflag:$0x1], $0x80, $0x38;
	[tilespmem:$0x1400] =	vst v63  }
0x1d0: {  	s30 =	sor.u32 $0xE00, s22;
	s31 =	sadd.s32 $0x6A0, s10  }
0x1d1: {  	[hbm4b:s31+s3] =	stream.linear.scatter [tilespmem:s30], [sflag:$0x1], $0x80, $0x38;
	[tilespmem:$0x1400] =	vst v63  }
0x1d2: {  	s23 =	sadd.s32 $0x1000, s22;
	s24 =	sadd.s32 $0x720, s10  }
0x1d3: {  	[hbm4b:s24+s3] =	stream.linear.scatter [tilespmem:s23], [sflag:$0x1], $0x80, $0x38;
	[tilespmem:$0x1400] =	vst v63  }
0x1d4: {  	s25 =	sadd.s32 $0x1200, s22;
	s26 =	sadd.s32 $0x7A0, s10  }
0x1d5: {  	[hbm4b:s26+s3] =	stream.linear.scatter [tilespmem:s25], [sflag:$0x1], $0x80, $0x38;
	[tilespmem:$0x1400] =	vst v63  }
0x1d6: {  	s28 =	sor.u32 $0x400, s19;
	s29 =	sadd.s32 $0x430, s10  }
0x1d7: {  	[hbm4b:s29+s3] =	stream.linear.scatter [tilespmem:s28], [sflag:$0x1], $0x80, $0x38;
	[tilespmem:$0x1400] =	vst v63  }
0x1d8: {  	s30 =	sor.u32 $0x600, s19;
	s31 =	sadd.s32 $0x4B0, s10  }
0x1d9: {  	[hbm4b:s31+s3] =	stream.linear.scatter [tilespmem:s30], [sflag:$0x1], $0x80, $0x38;
	[tilespmem:$0x1400] =	vst v63  }
0x1da: {  	s23 =	sor.u32 $0x800, s19;
	s24 =	sadd.s32 $0x530, s10  }
0x1db: {  	[hbm4b:s24+s3] =	stream.linear.scatter [tilespmem:s23], [sflag:$0x1], $0x80, $0x38;
	[tilespmem:$0x1400] =	vst v63  }
0x1dc: {  	s25 =	sor.u32 $0xA00, s19;
	s26 =	sadd.s32 $0x5B0, s10  }
0x1dd: {  	[hbm4b:s26+s3] =	stream.linear.scatter [tilespmem:s25], [sflag:$0x1], $0x80, $0x38;
	[tilespmem:$0x1400] =	vst v63  }
0x1de: {  	s28 =	sor.u32 $0xC00, s19;
	s29 =	sadd.s32 $0x630, s10  }
0x1df: {  	[hbm4b:s29+s3] =	stream.linear.scatter [tilespmem:s28], [sflag:$0x1], $0x80, $0x38;
	[tilespmem:$0x1400] =	vst v63  }
0x1e0: {  	s30 =	sor.u32 $0xE00, s19;
	s31 =	sadd.s32 $0x6B0, s10  }
0x1e1: {  	[hbm4b:s31+s3] =	stream.linear.scatter [tilespmem:s30], [sflag:$0x1], $0x80, $0x38;
	[tilespmem:$0x1400] =	vst v63  }
0x1e2: {  	s23 =	sadd.s32 $0x1000, s19;
	s24 =	sadd.s32 $0x730, s10  }
0x1e3: {  	[hbm4b:s24+s3] =	stream.linear.scatter [tilespmem:s23], [sflag:$0x1], $0x80, $0x38;
	[tilespmem:$0x1400] =	vst v63  }
0x1e4: {  	s25 =	sadd.s32 $0x1200, s19;
	s26 =	sadd.s32 $0x7B0, s10  }
0x1e5: {  	[hbm4b:s26+s3] =	stream.linear.scatter [tilespmem:s25], [sflag:$0x1], $0x80, $0x38;
	[tilespmem:$0x1400] =	vst v63  }
0x1e6: {  	s28 =	sor.u32 $0x400, s17;
	s29 =	sadd.s32 $0x440, s10  }
0x1e7: {  	[hbm4b:s29+s3] =	stream.linear.scatter [tilespmem:s28], [sflag:$0x1], $0x80, $0x38;
	[tilespmem:$0x1400] =	vst v63  }
0x1e8: {  	s30 =	sor.u32 $0x600, s17;
	s31 =	sadd.s32 $0x4C0, s10  }
0x1e9: {  	[hbm4b:s31+s3] =	stream.linear.scatter [tilespmem:s30], [sflag:$0x1], $0x80, $0x38;
	[tilespmem:$0x1400] =	vst v63  }
0x1ea: {  	s22 =	sadd.s32 $0x540, s10;
	s19 =	sor.u32 $0x800, s17  }
0x1eb: {  	[hbm4b:s22+s3] =	stream.linear.scatter [tilespmem:s19], [sflag:$0x1], $0x80, $0x38;
	[tilespmem:$0x1400] =	vst v63  }
0x1ec: {  	s23 =	sor.u32 $0xA00, s17;
	s24 =	sadd.s32 $0x5C0, s10  }
0x1ed: {  	[hbm4b:s24+s3] =	stream.linear.scatter [tilespmem:s23], [sflag:$0x1], $0x80, $0x38;
	[tilespmem:$0x1400] =	vst v63  }
0x1ee: {  	s25 =	sor.u32 $0xC00, s17;
	s26 =	sadd.s32 $0x640, s10  }
0x1ef: {  	[hbm4b:s26+s3] =	stream.linear.scatter [tilespmem:s25], [sflag:$0x1], $0x80, $0x38;
	[tilespmem:$0x1400] =	vst v63  }
0x1f0: {  	s28 =	sor.u32 $0xE00, s17;
	s29 =	sadd.s32 $0x6C0, s10  }
0x1f1: {  	[hbm4b:s29+s3] =	stream.linear.scatter [tilespmem:s28], [sflag:$0x1], $0x80, $0x38;
	[tilespmem:$0x1400] =	vst v63  }
0x1f2: {  	s21 =	sand.u32 $0x180, s21;
	s30 =	sadd.s32 $0x1000, s17;
	s31 =	sadd.s32 $0x740, s10  }
0x1f3: {  	[hbm4b:s31+s3] =	stream.linear.scatter [tilespmem:s30], [sflag:$0x1], $0x80, $0x38;
	[tilespmem:$0x1400] =	vst v63  }
0x1f4: {  	s20 =	sor.u32 s21, s20;
	s17 =	sadd.s32 $0x1200, s17;
	s19 =	sadd.s32 $0x7C0, s10  }
0x1f5: {  	[hbm4b:s19+s3] =	stream.linear.scatter [tilespmem:s17], [sflag:$0x1], $0x80, $0x38;
	[tilespmem:$0x1400] =	vst v63  }
0x1f6: {  	s21 =	sor.u32 $0x400, s20;
	s22 =	sadd.s32 $0x450, s10  }
0x1f7: {  	[hbm4b:s22+s3] =	stream.linear.scatter [tilespmem:s21], [sflag:$0x1], $0x80, $0x38;
	[tilespmem:$0x1400] =	vst v63  }
0x1f8: {  	s23 =	sor.u32 $0x600, s20;
	s24 =	sadd.s32 $0x4D0, s10  }
0x1f9: {  	[hbm4b:s24+s3] =	stream.linear.scatter [tilespmem:s23], [sflag:$0x1], $0x80, $0x38;
	[tilespmem:$0x1400] =	vst v63  }
0x1fa: {  	s25 =	sor.u32 $0x800, s20;
	s26 =	sadd.s32 $0x550, s10  }
0x1fb: {  	[hbm4b:s26+s3] =	stream.linear.scatter [tilespmem:s25], [sflag:$0x1], $0x80, $0x38;
	[tilespmem:$0x1400] =	vst v63  }
0x1fc: {  	s28 =	sor.u32 $0xA00, s20;
	s29 =	sadd.s32 $0x5D0, s10  }
0x1fd: {  	[hbm4b:s29+s3] =	stream.linear.scatter [tilespmem:s28], [sflag:$0x1], $0x80, $0x38;
	[tilespmem:$0x1400] =	vst v63  }
0x1fe: {  	s30 =	sor.u32 $0xC00, s20;
	s31 =	sadd.s32 $0x650, s10  }
0x1ff: {  	[hbm4b:s31+s3] =	stream.linear.scatter [tilespmem:s30], [sflag:$0x1], $0x80, $0x38;
	[tilespmem:$0x1400] =	vst v63  }
0x200: {  	s21 =	sor.u32 $0xE00, s20;
	s22 =	sadd.s32 $0x6D0, s10  }
0x201: {  	[hbm4b:s22+s3] =	stream.linear.scatter [tilespmem:s21], [sflag:$0x1], $0x80, $0x38;
	[tilespmem:$0x1400] =	vst v63  }
0x202: {  	s23 =	sadd.s32 $0x1000, s20;
	s24 =	sadd.s32 $0x750, s10  }
0x203: {  	[hbm4b:s24+s3] =	stream.linear.scatter [tilespmem:s23], [sflag:$0x1], $0x80, $0x38;
	[tilespmem:$0x1400] =	vst v63  }
0x204: {  	s25 =	sadd.s32 $0x1200, s20;
	s26 =	sadd.s32 $0x7D0, s10  }
0x205: {  	[hbm4b:s26+s3] =	stream.linear.scatter [tilespmem:s25], [sflag:$0x1], $0x80, $0x38;
	[tilespmem:$0x1400] =	vst v63  }
0x206: {  	s28 =	sor.u32 $0x400, s16;
	s29 =	sadd.s32 $0x460, s10  }
0x207: {  	[hbm4b:s29+s3] =	stream.linear.scatter [tilespmem:s28], [sflag:$0x1], $0x80, $0x38;
	[tilespmem:$0x1400] =	vst v63  }
0x208: {  	s30 =	sor.u32 $0x600, s16;
	s31 =	sadd.s32 $0x4E0, s10  }
0x209: {  	[hbm4b:s31+s3] =	stream.linear.scatter [tilespmem:s30], [sflag:$0x1], $0x80, $0x38;
	[tilespmem:$0x1400] =	vst v63  }
0x20a: {  	s21 =	sor.u32 $0x800, s16;
	s22 =	sadd.s32 $0x560, s10  }
0x20b: {  	[hbm4b:s22+s3] =	stream.linear.scatter [tilespmem:s21], [sflag:$0x1], $0x80, $0x38;
	[tilespmem:$0x1400] =	vst v63  }
0x20c: {  	s23 =	sor.u32 $0xA00, s16;
	s24 =	sadd.s32 $0x5E0, s10  }
0x20d: {  	[hbm4b:s24+s3] =	stream.linear.scatter [tilespmem:s23], [sflag:$0x1], $0x80, $0x38;
	[tilespmem:$0x1400] =	vst v63  }
0x20e: {  	s25 =	sor.u32 $0xC00, s16;
	s26 =	sadd.s32 $0x660, s10  }
0x20f: {  	[hbm4b:s26+s3] =	stream.linear.scatter [tilespmem:s25], [sflag:$0x1], $0x80, $0x38;
	[tilespmem:$0x1400] =	vst v63  }
0x210: {  	s28 =	sor.u32 $0xE00, s16;
	s29 =	sadd.s32 $0x6E0, s10  }
0x211: {  	[hbm4b:s29+s3] =	stream.linear.scatter [tilespmem:s28], [sflag:$0x1], $0x80, $0x38;
	[tilespmem:$0x1400] =	vst v63  }
0x212: {  	s30 =	sadd.s32 $0x1000, s16;
	s31 =	sadd.s32 $0x760, s10  }
0x213: {  	[hbm4b:s31+s3] =	stream.linear.scatter [tilespmem:s30], [sflag:$0x1], $0x80, $0x38;
	[tilespmem:$0x1400] =	vst v63  }
0x214: {  	s20 =	sadd.s32 $0x7E0, s10;
	s16 =	sadd.s32 $0x1200, s16  }
0x215: {  	[hbm4b:s20+s3] =	stream.linear.scatter [tilespmem:s16], [sflag:$0x1], $0x80, $0x38;
	[tilespmem:$0x1400] =	vst v63  }
0x216: {  	p0 =	sne.s32 s11, $0x1F800;
	s21 =	sor.u32 $0x400, s14;
	s22 =	sadd.s32 $0x470, s10  }
0x217: {  	[hbm4b:s22+s3] =	stream.linear.scatter [tilespmem:s21], [sflag:$0x1], $0x80, $0x38;
	[tilespmem:$0x1400] =	vst v63  }
0x218: {  	s11 =	sadd.s32 $0x800, s11;
	s23 =	sor.u32 $0x600, s14;
	s24 =	sadd.s32 $0x4F0, s10  }
0x219: {  	[hbm4b:s24+s3] =	stream.linear.scatter [tilespmem:s23], [sflag:$0x1], $0x80, $0x38;
	[tilespmem:$0x1400] =	vst v63  }
0x21a: {  	s12 =	sadd.s32 $0x10, s12;
	s25 =	sor.u32 $0x800, s14;
	s26 =	sadd.s32 $0x570, s10  }
0x21b: {  	[hbm4b:s26+s3] =	stream.linear.scatter [tilespmem:s25], [sflag:$0x1], $0x80, $0x38;
	[tilespmem:$0x1400] =	vst v63  }
.Ltmp0:
0x21c: {  	s13 =	sadd.s32 $0x770, s10;
	s15 =	sadd.s32 $0x1000, s14;
	(pc) =	sbr.rel @p0 .LBB2_2-.Ltmp0, $4  }
0x21d: {  	s17 =	sadd.s32 $0x6F0, s10;
	s28 =	sor.u32 $0xA00, s14;
	s29 =	sadd.s32 $0x5F0, s10  }
0x21e: {  	[hbm4b:s29+s3] =	stream.linear.scatter [tilespmem:s28], [sflag:$0x1], $0x80, $0x38;
	[tilespmem:$0x1400] =	vst v63  }
0x21f: {  	s30 =	sor.u32 $0xC00, s14;
	s31 =	sadd.s32 $0x670, s10;
	s16 =	sor.u32 $0xE00, s14  }
0x220: {  	[hbm4b:s31+s3] =	stream.linear.scatter [tilespmem:s30], [sflag:$0x1], $0x80, $0x38;
	[tilespmem:$0x1400] =	vst v63  }
0x221: {  	[hbm4b:s17+s3] =	stream.linear.scatter [tilespmem:s16], [sflag:$0x1], $0x80, $0x38;
	[tilespmem:$0x1400] =	vst v63  }
0x222: {  	_ = 	snop  }
0x223: {  	[hbm4b:s13+s3] =	stream.linear.scatter [tilespmem:s15], [sflag:$0x1], $0x80, $0x38;
	[tilespmem:$0x1400] =	vst v63  }
0x224: {  	s11 =	sadd.s32 $0x1200, s14;
	s10 =	sadd.s32 $0x7F0, s10  }
0x225: {  	[hbm4b:s10+s3] =	stream.linear.scatter [tilespmem:s11], [sflag:$0x1], $0x80, $0x38;
	[tilespmem:$0x1400] =	vst v63  }
0x226: {  	_ =	swait.ge [sflag:s8], $0x10000  }
0x227: {  	[sflag:s8] =	ssyncset.done $0x0  }
0x228: {  	[sflag:s8] =	ssyncadd.s32 $0xFFFF0000  }
0x229: {  	_ =	swait.ge [sflag:s8], $0x10000  }
0x22a: {  	[sflag:s8] =	ssyncset.done $0x0  }
0x22b: {  	[sflag:s8] =	ssyncadd.s32 $0xFFFF0000  }
0x22c: {  	_ =	swait.ge [sflag:s8], $0x10000  }
0x22d: {  	[sflag:s8] =	ssyncset.done $0x0  }
0x22e: {  	[sflag:s8] =	ssyncadd.s32 $0xFFFF0000  }
0x22f: {  	_ =	swait.ge [sflag:s8], $0x10000  }
0x230: {  	[sflag:s8] =	ssyncset.done $0x0  }
0x231: {  	[sflag:s8] =	ssyncadd.s32 $0xFFFF0000  }
0x232: {  	_ =	swait.ge [sflag:s8], $0x10000  }
0x233: {  	[sflag:s8] =	ssyncset.done $0x0  }
0x234: {  	[sflag:s8] =	ssyncadd.s32 $0xFFFF0000  }
0x235: {  	_ =	swait.ge [sflag:s8], $0x10000  }
0x236: {  	[sflag:s8] =	ssyncset.done $0x0  }
0x237: {  	[sflag:s8] =	ssyncadd.s32 $0xFFFF0000  }
0x238: {  	_ =	swait.ge [sflag:s8], $0x10000  }
0x239: {  	[sflag:s8] =	ssyncset.done $0x0  }
0x23a: {  	[sflag:s8] =	ssyncadd.s32 $0xFFFF0000  }
0x23b: {  	_ =	swait.ge [sflag:s8], $0x10000  }
0x23c: {  	[sflag:s8] =	ssyncset.done $0x0  }
0x23d: {  	[sflag:s8] =	ssyncadd.s32 $0xFFFF0000  }
0x23e: {  	_ =	swait.ge [sflag:s8], $0x10000  }
0x23f: {  	[sflag:s8] =	ssyncset.done $0x0  }
0x240: {  	[sflag:s8] =	ssyncadd.s32 $0xFFFF0000  }
0x241: {  	_ =	swait.ge [sflag:s8], $0x10000  }
0x242: {  	[sflag:s8] =	ssyncset.done $0x0  }
0x243: {  	[sflag:s8] =	ssyncadd.s32 $0xFFFF0000  }
0x244: {  	_ =	swait.ge [sflag:s8], $0x10000  }
0x245: {  	[sflag:s8] =	ssyncset.done $0x0  }
0x246: {  	[sflag:s8] =	ssyncadd.s32 $0xFFFF0000  }
0x247: {  	_ =	swait.ge [sflag:s8], $0x10000  }
0x248: {  	[sflag:s8] =	ssyncset.done $0x0  }
0x249: {  	[sflag:s8] =	ssyncadd.s32 $0xFFFF0000  }
0x24a: {  	_ =	swait.ge [sflag:s8], $0x10000  }
0x24b: {  	[sflag:s8] =	ssyncset.done $0x0  }
0x24c: {  	[sflag:s8] =	ssyncadd.s32 $0xFFFF0000  }
0x24d: {  	_ =	swait.ge [sflag:s8], $0x10000  }
0x24e: {  	[sflag:s8] =	ssyncset.done $0x0  }
0x24f: {  	s9 =	sadd.s32 $0x1, s9;
	[sflag:s8] =	ssyncadd.s32 $0xFFFF0000  }
0x250: {  	p0 =	sne.s32 s9, s5;
	_ =	swait.ge [sflag:s8], $0x10000  }
.Ltmp1:
0x251: {  	[sflag:s8] =	ssyncset.done $0x0;
	(pc) =	sbr.rel @p0 .LBB2_1-.Ltmp1, $4  }
0x252: {  	[sflag:s8] =	ssyncadd.s32 $0xFFFF0000  }
0x253: {  	_ =	swait.ge [sflag:s8], $0x10000  }
0x254: {  	[sflag:s8] =	ssyncset.done $0x0  }
0x255: {  	[sflag:s8] =	ssyncadd.s32 $0xFFFF0000  }
0x256: {  	_ =	sfence.sel $0x180000  }
0x257: {  	[bflag:$0x0] =	sbarrier.arrive $0xFFFF  }
0x258: {  	p0 =	sne.s32 s2, $0x0;
	_ =	strace $0x90000047  }
0x259: {  	s0 =	sadd.s32 @!p0 $0x100000, s0;
	[bflag:$0x2] =	sbarrier.arrive $0xFFFF  }
0x25a: {  	[sflag:s0] =	ssyncadd.tile.s32 @!p0 $0x1;
	_ =	shalt  }
.Lfunc_end2:
_tile_overlayer_lowered:
.L_overlay_start_2:
0x25b: {  	(tag) =	ssettag $0x2  }
0x25c: {  	s0 =	rddreg [dreg:$0x0];
	s2 =	stileid.u32  }
0x25d: {  	s1 =	rddreg [dreg:$0x1];
	p0 =	sne.s32 s2, $0x0  }
0x25e: {  	s3 =	rddreg [dreg:$0x2];
	[bflag:$0x3] =	sbarrier.arrive $0xFFFF;
	s2 =	simm.s32 @!p0 $0x1C02  }
0x25f: {  	[timem:s3], [sflag:s2] =	dma.local @!p0 [hbm:s0], s1  }
0x260: {  	s0 =	simm.s32 @!p0 $0x2  }
0x261: {  	_ =	swait.ge @!p0 [sflag:s0], s1  }
0x262: {  	s1 =	ssub.s32 @!p0 $0x0, s1;
	[sflag:s0] =	ssyncset.done @!p0 $0x0  }
0x263: {  	[sflag:s0] =	ssyncadd.s32 @!p0 s1  }
0x264: {  	[bflag:$0x3] =	sbarrier.arrive $0xFFFF  }
0x265: {  	_ =	shalt  }

</sc_bundles>
